<compile_context>
chip_gen: v7x
topology: tpu7x:2x2x1
jax: 0.10.2.dev20260603
libtpu: 0.0.44.dev20260713+nightly
codegen_flags: <defaults>
</compile_context>

<pallas_src>
import functools

import jax
import jax.numpy as jnp
from jax import lax
from jax.experimental import pallas as pl
from jax.experimental.pallas import tpu as pltpu
from jax.experimental.pallas import tpu_sc as plsc

_V = 26
_L = 16
_NW = 32
_K = 2
_TW = 1024
_U = 8


def _scatter_chunk(idx_v, buf, val):
    lane = lax.iota(jnp.int32, _L)
    for k in range(_K):

        def body(j, _, k=k):
            row = jnp.full((_L,), k * 8, jnp.int32) + j
            for u in range(_U):
                jj = j * _U + u
                v = idx_v[pl.ds(k * _TW + jj * _L, _L)]
                col = u * _L + lane
                plsc.store_scatter(buf, [v, row, col], val)
            return 0

        lax.fori_loop(0, _TW // (_L * _U), body, 0)


def _onehot_body(idx_hbm, zeros_hbm, out_hbm, idx0, idx1, buf0, buf1,
                 sem0, sem1, tiles_per_w):
    wid = lax.axis_index("s") * 2 + lax.axis_index("c")
    t_base = wid * tiles_per_w

    zeros = jnp.zeros((_L,), jnp.float32)
    ones = jnp.ones((_L,), jnp.float32)
    idx_b = (idx0, idx1)
    buf_b = (buf0, buf1)
    sem_b = (sem0, sem1)

    for b in range(2):
        pltpu.async_copy(zeros_hbm, buf_b[b], sem_b[b])

    def run_chunk(c, b):
        t0 = t_base + c * _K
        pltpu.sync_copy(idx_hbm.at[pl.ds(t0 * _TW, _K * _TW)], idx_b[b])
        _scatter_chunk(idx_b[b], buf_b[b], ones)
        pltpu.async_copy(buf_b[b], out_hbm.at[:, pl.ds(t0 * 8, _K * 8), :],
                         sem_b[b])

    for b in range(2):
        pltpu.make_async_copy(zeros_hbm, buf_b[b], sem_b[b]).wait()
        run_chunk(b, b)

    def loop_body(c2, _):
        for b in range(2):
            c = c2 * 2 + b
            pltpu.make_async_copy(
                buf_b[b], out_hbm.at[:, pl.ds(0, _K * 8), :], sem_b[b]
            ).wait()
            _scatter_chunk(idx_b[b], buf_b[b], zeros)
            run_chunk(c, b)
        return 0

    lax.fori_loop(1, tiles_per_w // _K // 2, loop_body, 0)

    for b in range(2):
        pltpu.make_async_copy(
            buf_b[b], out_hbm.at[:, pl.ds(0, _K * 8), :], sem_b[b]
        ).wait()


def kernel(indices, table):
    B0, Lseq = indices.shape
    B = B0 * Lseq
    n_tiles = B // _TW
    assert Lseq % 8 == 0 and B0 % 128 == 0 and n_tiles % (_NW * _K * 2) == 0
    tiles_per_w = n_tiles // _NW

    idx = (
        indices.astype(jnp.int32)
        .transpose(1, 0)
        .reshape(Lseq // 8, 8, B0 // 128, 128)
        .transpose(0, 2, 1, 3)
        .reshape(B)
    )

    mesh = plsc.VectorSubcoreMesh(core_axis_name="c", subcore_axis_name="s")
    k = functools.partial(
        pl.kernel,
        out_type=jax.ShapeDtypeStruct((_V, n_tiles * 8, 128), jnp.float32),
        mesh=mesh,
        compiler_params=pltpu.CompilerParams(needs_layout_passes=False),
        scratch_types=[
            pltpu.VMEM((_K * _TW,), jnp.int32),
            pltpu.VMEM((_K * _TW,), jnp.int32),
            pltpu.VMEM((_V, _K * 8, 128), jnp.float32),
            pltpu.VMEM((_V, _K * 8, 128), jnp.float32),
            pltpu.SemaphoreType.DMA,
            pltpu.SemaphoreType.DMA,
        ],
    )(functools.partial(_onehot_body, tiles_per_w=tiles_per_w))

    out = k(idx, jnp.zeros((_V, _K * 8, 128), jnp.float32))
    return (
        out.reshape(_V, Lseq // 8, B0 // 128, 8, 128)
        .transpose(2, 4, 1, 3, 0)
        .reshape(B0, Lseq, _V)
    )

# --- scband reference (transcript-rebuilt; emitter-appended) ---
"""Pipeline reference for scband-one-hot-aa-75333726372472 (READ-ONLY COPY).

The authoritative reference and input builder live on the scoring server;
editing this copy changes nothing except your own understanding.
"""

import jax, jax.numpy as jnp
import numpy as np

VOCAB = 26  # len('ACDEFGHIKLMNOPQRSTUVWYBZJX')

def setup_inputs(seed: int = 0) -> dict:
    key = jax.random.key(seed)
    k1, _ = jax.random.split(key)
    indices = jax.random.randint(k1, (16384, 200), 0, VOCAB, dtype=jnp.int64)
    # One-hot encoding table (identity matrix acting as the embedding table)
    table = jnp.eye(VOCAB, dtype=jnp.float32)
    return {"indices": indices, "table": table}

def reference(indices, table):
    # One-hot AA encoding == embedding lookup into an identity table.
    # gather maps to SparseCore: table[indices]
    out = jnp.take(table, indices, axis=0)  # [B, L, VOCAB] float32
    return out

if __name__ == "__main__":
    import jax
    _d = setup_inputs()
    print(jax.jit(kernel)(*tuple(_d.values())))

</pallas_src>

<mosaic_0001>
#map = affine_map<(d0, d1) -> (0)>
#map1 = affine_map<(d0, d1) -> (0, 0, 0)>
module attributes {stable_mosaic.version = 14 : i64} {
  func.func @_onehot_body(%arg0: i32, %arg1: i32, %arg2: memref<3276800xi32, #tpu.memory_space<hbm>>, %arg3: memref<26x16x128xf32, #tpu.memory_space<hbm>>, %arg4: memref<26x25600x128xf32, #tpu.memory_space<hbm>>, %arg5: memref<2048xi32, #tpu.memory_space<vmem>>, %arg6: memref<2048xi32, #tpu.memory_space<vmem>>, %arg7: memref<26x16x128xf32, #tpu.memory_space<vmem>>, %arg8: memref<26x16x128xf32, #tpu.memory_space<vmem>>, %arg9: memref<!tpu.dma_semaphore, #tpu.memory_space<semaphore_mem>>, %arg10: memref<!tpu.dma_semaphore, #tpu.memory_space<semaphore_mem>>) attributes {dimension_semantics = [#tpu.dimension_semantics<core_parallel>, #tpu.dimension_semantics<subcore_parallel>], iteration_bounds = array<i64: 2, 16>, scalar_prefetch = 0 : i64, scratch_operands = 6 : i64, tpu.core_type = #tpu.core_type<sc_vector_subcore>, window_params = [{transform_indices = #map}, {transform_indices = #map1}, {transform_indices = #map1}]} {
    %mul3A = arith.constant 2 : i32
    %mul3A_0 = arith.muli %arg1, %mul3A : i32
    %add3A = arith.addi %mul3A_0, %arg0 : i32
    %mul3A_1 = arith.constant 100 : i32
    %mul3A_2 = arith.muli %add3A, %mul3A_1 : i32
    %broadcast_in_dim3A = arith.constant 0.000000e+00 : f32
    %broadcast_in_dim3A_3 = vector.broadcast %broadcast_in_dim3A : f32 to vector<16xf32>
    %broadcast_in_dim3A_4 = arith.constant 1.000000e+00 : f32
    %broadcast_in_dim3A_5 = vector.broadcast %broadcast_in_dim3A_4 : f32 to vector<16xf32>
    tpu.enqueue_dma source(%arg3 : memref<26x16x128xf32, #tpu.memory_space<hbm>>) target(%arg7 : memref<26x16x128xf32, #tpu.memory_space<vmem>>) target_semaphore(%arg9 : memref<!tpu.dma_semaphore, #tpu.memory_space<semaphore_mem>>)
    tpu.enqueue_dma source(%arg3 : memref<26x16x128xf32, #tpu.memory_space<hbm>>) target(%arg8 : memref<26x16x128xf32, #tpu.memory_space<vmem>>) target_semaphore(%arg10 : memref<!tpu.dma_semaphore, #tpu.memory_space<semaphore_mem>>)
    tpu.wait_dma2 semaphore(%arg9 : memref<!tpu.dma_semaphore, #tpu.memory_space<semaphore_mem>>) src(%arg3 : memref<26x16x128xf32, #tpu.memory_space<hbm>>) dst(%arg7 : memref<26x16x128xf32, #tpu.memory_space<vmem>>)
    %add3A_6 = arith.constant 0 : i32
    %add3A_7 = arith.addi %mul3A_2, %add3A_6 : i32
    %mul3A_8 = arith.constant 1024 : i32
    %mul3A_9 = arith.muli %add3A_7, %mul3A_8 : i32
    "tpu.region"() ({
      %run_scoped3A = tpu.sem_alloc : memref<!tpu.dma_semaphore, #tpu.memory_space<semaphore_mem>>
      %dma_start3A_79 = tpu.memref_slice %arg2[%mul3A_9] : memref<3276800xi32, #tpu.memory_space<hbm>> -> memref<2048xi32, #tpu.memory_space<hbm>>
      %dma_start3A_80 = tpu.memref_slice %arg2[%mul3A_9] : memref<3276800xi32, #tpu.memory_space<hbm>> -> memref<2048xi32, #tpu.memory_space<hbm>>
      tpu.enqueue_dma source(%dma_start3A_80 : memref<2048xi32, #tpu.memory_space<hbm>>) target(%arg5 : memref<2048xi32, #tpu.memory_space<vmem>>) target_semaphore(%run_scoped3A : memref<!tpu.dma_semaphore, #tpu.memory_space<semaphore_mem>>)
      %dma_wait3A_81 = tpu.memref_slice %arg2[%mul3A_9] : memref<3276800xi32, #tpu.memory_space<hbm>> -> memref<2048xi32, #tpu.memory_space<hbm>>
      %dma_wait3A_82 = tpu.memref_slice %arg2[%mul3A_9] : memref<3276800xi32, #tpu.memory_space<hbm>> -> memref<2048xi32, #tpu.memory_space<hbm>>
      tpu.wait_dma2 semaphore(%run_scoped3A : memref<!tpu.dma_semaphore, #tpu.memory_space<semaphore_mem>>) src(%dma_wait3A_82 : memref<2048xi32, #tpu.memory_space<hbm>>) dst(%arg5 : memref<2048xi32, #tpu.memory_space<vmem>>)
      tpu.yield
    }) : () -> ()
    %iota3A = tpu.iota {dimensions = array<i32: 0>} : vector<16xi32>
    %scan3A = arith.constant 0 : i32
    %scan3A_10 = arith.constant 0 : i32
    %scan3A_11 = arith.constant 8 : i32
    %scan3A_12 = arith.addi %scan3A_10, %scan3A_11 : i32
    %scan3A_13 = arith.constant 1 : i32
    %scan3A_14 = scf.for %scan3A_79 = %scan3A_10 to %scan3A_12 step %scan3A_13 iter_args(%scan3A_80 = %scan3A) -> (i32)  : i32 {
      %broadcast_in_dim3A_81 = arith.constant 0 : i32
      %broadcast_in_dim3A_82 = vector.broadcast %broadcast_in_dim3A_81 : i32 to vector<16xi32>
      %add3A_83 = vector.broadcast %scan3A_79 : i32 to vector<16xi32>
      %add3A_84 = arith.addi %broadcast_in_dim3A_82, %add3A_83 : vector<16xi32>
      %mul3A_85 = arith.constant 8 : i32
      %mul3A_86 = arith.muli %scan3A_79, %mul3A_85 : i32
      %add3A_87 = arith.constant 0 : i32
      %add3A_88 = arith.addi %mul3A_86, %add3A_87 : i32
      %mul3A_89 = arith.constant 16 : i32
      %mul3A_90 = arith.muli %add3A_88, %mul3A_89 : i32
      %add3A_91 = arith.constant 0 : i32
      %add3A_92 = arith.addi %add3A_91, %mul3A_90 : i32
      %get3A = arith.index_cast %add3A_92 : i32 to index
      %get3A_93 = tpu.vector_load %arg5[%get3A] {strides = array<i32>} : memref<2048xi32, #tpu.memory_space<vmem>>, vector<16xi32>,
      %add3A_94 = arith.constant 0 : i32
      %add3A_95 = vector.broadcast %add3A_94 : i32 to vector<16xi32>
      %add3A_96 = arith.addi %add3A_95, %iota3A : vector<16xi32>
      tpu.vector_store_idx %arg7[%get3A_93, %add3A_84, %add3A_96], %broadcast_in_dim3A_5 : memref<26x16x128xf32, #tpu.memory_space<vmem>>[vector<16xi32>, vector<16xi32>, vector<16xi32>], vector<16xf32>,
      %mul3A_97 = arith.constant 8 : i32
      %mul3A_98 = arith.muli %scan3A_79, %mul3A_97 : i32
      %add3A_99 = arith.constant 1 : i32
      %add3A_100 = arith.addi %mul3A_98, %add3A_99 : i32
      %mul3A_101 = arith.constant 16 : i32
      %mul3A_102 = arith.muli %add3A_100, %mul3A_101 : i32
      %add3A_103 = arith.constant 0 : i32
      %add3A_104 = arith.addi %add3A_103, %mul3A_102 : i32
      %get3A_105 = arith.index_cast %add3A_104 : i32 to index
      %get3A_106 = tpu.vector_load %arg5[%get3A_105] {strides = array<i32>} : memref<2048xi32, #tpu.memory_space<vmem>>, vector<16xi32>,
      %add3A_107 = arith.constant 16 : i32
      %add3A_108 = vector.broadcast %add3A_107 : i32 to vector<16xi32>
      %add3A_109 = arith.addi %add3A_108, %iota3A : vector<16xi32>
      tpu.vector_store_idx %arg7[%get3A_106, %add3A_84, %add3A_109], %broadcast_in_dim3A_5 : memref<26x16x128xf32, #tpu.memory_space<vmem>>[vector<16xi32>, vector<16xi32>, vector<16xi32>], vector<16xf32>,
      %mul3A_110 = arith.constant 8 : i32
      %mul3A_111 = arith.muli %scan3A_79, %mul3A_110 : i32
      %add3A_112 = arith.constant 2 : i32
      %add3A_113 = arith.addi %mul3A_111, %add3A_112 : i32
      %mul3A_114 = arith.constant 16 : i32
      %mul3A_115 = arith.muli %add3A_113, %mul3A_114 : i32
      %add3A_116 = arith.constant 0 : i32
      %add3A_117 = arith.addi %add3A_116, %mul3A_115 : i32
      %get3A_118 = arith.index_cast %add3A_117 : i32 to index
      %get3A_119 = tpu.vector_load %arg5[%get3A_118] {strides = array<i32>} : memref<2048xi32, #tpu.memory_space<vmem>>, vector<16xi32>,
      %add3A_120 = arith.constant 32 : i32
      %add3A_121 = vector.broadcast %add3A_120 : i32 to vector<16xi32>
      %add3A_122 = arith.addi %add3A_121, %iota3A : vector<16xi32>
      tpu.vector_store_idx %arg7[%get3A_119, %add3A_84, %add3A_122], %broadcast_in_dim3A_5 : memref<26x16x128xf32, #tpu.memory_space<vmem>>[vector<16xi32>, vector<16xi32>, vector<16xi32>], vector<16xf32>,
      %mul3A_123 = arith.constant 8 : i32
      %mul3A_124 = arith.muli %scan3A_79, %mul3A_123 : i32
      %add3A_125 = arith.constant 3 : i32
      %add3A_126 = arith.addi %mul3A_124, %add3A_125 : i32
      %mul3A_127 = arith.constant 16 : i32
      %mul3A_128 = arith.muli %add3A_126, %mul3A_127 : i32
      %add3A_129 = arith.constant 0 : i32
      %add3A_130 = arith.addi %add3A_129, %mul3A_128 : i32
      %get3A_131 = arith.index_cast %add3A_130 : i32 to index
      %get3A_132 = tpu.vector_load %arg5[%get3A_131] {strides = array<i32>} : memref<2048xi32, #tpu.memory_space<vmem>>, vector<16xi32>,
      %add3A_133 = arith.constant 48 : i32
      %add3A_134 = vector.broadcast %add3A_133 : i32 to vector<16xi32>
      %add3A_135 = arith.addi %add3A_134, %iota3A : vector<16xi32>
      tpu.vector_store_idx %arg7[%get3A_132, %add3A_84, %add3A_135], %broadcast_in_dim3A_5 : memref<26x16x128xf32, #tpu.memory_space<vmem>>[vector<16xi32>, vector<16xi32>, vector<16xi32>], vector<16xf32>,
      %mul3A_136 = arith.constant 8 : i32
      %mul3A_137 = arith.muli %scan3A_79, %mul3A_136 : i32
      %add3A_138 = arith.constant 4 : i32
      %add3A_139 = arith.addi %mul3A_137, %add3A_138 : i32
      %mul3A_140 = arith.constant 16 : i32
      %mul3A_141 = arith.muli %add3A_139, %mul3A_140 : i32
      %add3A_142 = arith.constant 0 : i32
      %add3A_143 = arith.addi %add3A_142, %mul3A_141 : i32
      %get3A_144 = arith.index_cast %add3A_143 : i32 to index
      %get3A_145 = tpu.vector_load %arg5[%get3A_144] {strides = array<i32>} : memref<2048xi32, #tpu.memory_space<vmem>>, vector<16xi32>,
      %add3A_146 = arith.constant 64 : i32
      %add3A_147 = vector.broadcast %add3A_146 : i32 to vector<16xi32>
      %add3A_148 = arith.addi %add3A_147, %iota3A : vector<16xi32>
      tpu.vector_store_idx %arg7[%get3A_145, %add3A_84, %add3A_148], %broadcast_in_dim3A_5 : memref<26x16x128xf32, #tpu.memory_space<vmem>>[vector<16xi32>, vector<16xi32>, vector<16xi32>], vector<16xf32>,
      %mul3A_149 = arith.constant 8 : i32
      %mul3A_150 = arith.muli %scan3A_79, %mul3A_149 : i32
      %add3A_151 = arith.constant 5 : i32
      %add3A_152 = arith.addi %mul3A_150, %add3A_151 : i32
      %mul3A_153 = arith.constant 16 : i32
      %mul3A_154 = arith.muli %add3A_152, %mul3A_153 : i32
      %add3A_155 = arith.constant 0 : i32
      %add3A_156 = arith.addi %add3A_155, %mul3A_154 : i32
      %get3A_157 = arith.index_cast %add3A_156 : i32 to index
      %get3A_158 = tpu.vector_load %arg5[%get3A_157] {strides = array<i32>} : memref<2048xi32, #tpu.memory_space<vmem>>, vector<16xi32>,
      %add3A_159 = arith.constant 80 : i32
      %add3A_160 = vector.broadcast %add3A_159 : i32 to vector<16xi32>
      %add3A_161 = arith.addi %add3A_160, %iota3A : vector<16xi32>
      tpu.vector_store_idx %arg7[%get3A_158, %add3A_84, %add3A_161], %broadcast_in_dim3A_5 : memref<26x16x128xf32, #tpu.memory_space<vmem>>[vector<16xi32>, vector<16xi32>, vector<16xi32>], vector<16xf32>,
      %mul3A_162 = arith.constant 8 : i32
      %mul3A_163 = arith.muli %scan3A_79, %mul3A_162 : i32
      %add3A_164 = arith.constant 6 : i32
      %add3A_165 = arith.addi %mul3A_163, %add3A_164 : i32
      %mul3A_166 = arith.constant 16 : i32
      %mul3A_167 = arith.muli %add3A_165, %mul3A_166 : i32
      %add3A_168 = arith.constant 0 : i32
      %add3A_169 = arith.addi %add3A_168, %mul3A_167 : i32
      %get3A_170 = arith.index_cast %add3A_169 : i32 to index
      %get3A_171 = tpu.vector_load %arg5[%get3A_170] {strides = array<i32>} : memref<2048xi32, #tpu.memory_space<vmem>>, vector<16xi32>,
      %add3A_172 = arith.constant 96 : i32
      %add3A_173 = vector.broadcast %add3A_172 : i32 to vector<16xi32>
      %add3A_174 = arith.addi %add3A_173, %iota3A : vector<16xi32>
      tpu.vector_store_idx %arg7[%get3A_171, %add3A_84, %add3A_174], %broadcast_in_dim3A_5 : memref<26x16x128xf32, #tpu.memory_space<vmem>>[vector<16xi32>, vector<16xi32>, vector<16xi32>], vector<16xf32>,
      %mul3A_175 = arith.constant 8 : i32
      %mul3A_176 = arith.muli %scan3A_79, %mul3A_175 : i32
      %add3A_177 = arith.constant 7 : i32
      %add3A_178 = arith.addi %mul3A_176, %add3A_177 : i32
      %mul3A_179 = arith.constant 16 : i32
      %mul3A_180 = arith.muli %add3A_178, %mul3A_179 : i32
      %add3A_181 = arith.constant 0 : i32
      %add3A_182 = arith.addi %add3A_181, %mul3A_180 : i32
      %get3A_183 = arith.index_cast %add3A_182 : i32 to index
      %get3A_184 = tpu.vector_load %arg5[%get3A_183] {strides = array<i32>} : memref<2048xi32, #tpu.memory_space<vmem>>, vector<16xi32>,
      %add3A_185 = arith.constant 112 : i32
      %add3A_186 = vector.broadcast %add3A_185 : i32 to vector<16xi32>
      %add3A_187 = arith.addi %add3A_186, %iota3A : vector<16xi32>
      tpu.vector_store_idx %arg7[%get3A_184, %add3A_84, %add3A_187], %broadcast_in_dim3A_5 : memref<26x16x128xf32, #tpu.memory_space<vmem>>[vector<16xi32>, vector<16xi32>, vector<16xi32>], vector<16xf32>,
      %scan3A_188 = arith.constant 0 : i32
      scf.yield %scan3A_188 : i32
    }
    %scan3A_15 = arith.constant 8 : i32
    %scan3A_16 = arith.constant 0 : i32
    %scan3A_17 = arith.constant 0 : i32
    %scan3A_18 = arith.constant 8 : i32
    %scan3A_19 = arith.addi %scan3A_17, %scan3A_18 : i32
    %scan3A_20 = arith.constant 1 : i32
    %scan3A_21 = scf.for %scan3A_79 = %scan3A_17 to %scan3A_19 step %scan3A_20 iter_args(%scan3A_80 = %scan3A_16) -> (i32)  : i32 {
      %broadcast_in_dim3A_81 = arith.constant 8 : i32
      %broadcast_in_dim3A_82 = vector.broadcast %broadcast_in_dim3A_81 : i32 to vector<16xi32>
      %add3A_83 = vector.broadcast %scan3A_79 : i32 to vector<16xi32>
      %add3A_84 = arith.addi %broadcast_in_dim3A_82, %add3A_83 : vector<16xi32>
      %mul3A_85 = arith.constant 8 : i32
      %mul3A_86 = arith.muli %scan3A_79, %mul3A_85 : i32
      %add3A_87 = arith.constant 0 : i32
      %add3A_88 = arith.addi %mul3A_86, %add3A_87 : i32
      %mul3A_89 = arith.constant 16 : i32
      %mul3A_90 = arith.muli %add3A_88, %mul3A_89 : i32
      %add3A_91 = arith.constant 1024 : i32
      %add3A_92 = arith.addi %add3A_91, %mul3A_90 : i32
      %get3A = arith.index_cast %add3A_92 : i32 to index
      %get3A_93 = tpu.vector_load %arg5[%get3A] {strides = array<i32>} : memref<2048xi32, #tpu.memory_space<vmem>>, vector<16xi32>,
      %add3A_94 = arith.constant 0 : i32
      %add3A_95 = vector.broadcast %add3A_94 : i32 to vector<16xi32>
      %add3A_96 = arith.addi %add3A_95, %iota3A : vector<16xi32>
      tpu.vector_store_idx %arg7[%get3A_93, %add3A_84, %add3A_96], %broadcast_in_dim3A_5 : memref<26x16x128xf32, #tpu.memory_space<vmem>>[vector<16xi32>, vector<16xi32>, vector<16xi32>], vector<16xf32>,
      %mul3A_97 = arith.constant 8 : i32
      %mul3A_98 = arith.muli %scan3A_79, %mul3A_97 : i32
      %add3A_99 = arith.constant 1 : i32
      %add3A_100 = arith.addi %mul3A_98, %add3A_99 : i32
      %mul3A_101 = arith.constant 16 : i32
      %mul3A_102 = arith.muli %add3A_100, %mul3A_101 : i32
      %add3A_103 = arith.constant 1024 : i32
      %add3A_104 = arith.addi %add3A_103, %mul3A_102 : i32
      %get3A_105 = arith.index_cast %add3A_104 : i32 to index
      %get3A_106 = tpu.vector_load %arg5[%get3A_105] {strides = array<i32>} : memref<2048xi32, #tpu.memory_space<vmem>>, vector<16xi32>,
      %add3A_107 = arith.constant 16 : i32
      %add3A_108 = vector.broadcast %add3A_107 : i32 to vector<16xi32>
      %add3A_109 = arith.addi %add3A_108, %iota3A : vector<16xi32>
      tpu.vector_store_idx %arg7[%get3A_106, %add3A_84, %add3A_109], %broadcast_in_dim3A_5 : memref<26x16x128xf32, #tpu.memory_space<vmem>>[vector<16xi32>, vector<16xi32>, vector<16xi32>], vector<16xf32>,
      %mul3A_110 = arith.constant 8 : i32
      %mul3A_111 = arith.muli %scan3A_79, %mul3A_110 : i32
      %add3A_112 = arith.constant 2 : i32
      %add3A_113 = arith.addi %mul3A_111, %add3A_112 : i32
      %mul3A_114 = arith.constant 16 : i32
      %mul3A_115 = arith.muli %add3A_113, %mul3A_114 : i32
      %add3A_116 = arith.constant 1024 : i32
      %add3A_117 = arith.addi %add3A_116, %mul3A_115 : i32
      %get3A_118 = arith.index_cast %add3A_117 : i32 to index
      %get3A_119 = tpu.vector_load %arg5[%get3A_118] {strides = array<i32>} : memref<2048xi32, #tpu.memory_space<vmem>>, vector<16xi32>,
      %add3A_120 = arith.constant 32 : i32
      %add3A_121 = vector.broadcast %add3A_120 : i32 to vector<16xi32>
      %add3A_122 = arith.addi %add3A_121, %iota3A : vector<16xi32>
      tpu.vector_store_idx %arg7[%get3A_119, %add3A_84, %add3A_122], %broadcast_in_dim3A_5 : memref<26x16x128xf32, #tpu.memory_space<vmem>>[vector<16xi32>, vector<16xi32>, vector<16xi32>], vector<16xf32>,
      %mul3A_123 = arith.constant 8 : i32
      %mul3A_124 = arith.muli %scan3A_79, %mul3A_123 : i32
      %add3A_125 = arith.constant 3 : i32
      %add3A_126 = arith.addi %mul3A_124, %add3A_125 : i32
      %mul3A_127 = arith.constant 16 : i32
      %mul3A_128 = arith.muli %add3A_126, %mul3A_127 : i32
      %add3A_129 = arith.constant 1024 : i32
      %add3A_130 = arith.addi %add3A_129, %mul3A_128 : i32
      %get3A_131 = arith.index_cast %add3A_130 : i32 to index
      %get3A_132 = tpu.vector_load %arg5[%get3A_131] {strides = array<i32>} : memref<2048xi32, #tpu.memory_space<vmem>>, vector<16xi32>,
      %add3A_133 = arith.constant 48 : i32
      %add3A_134 = vector.broadcast %add3A_133 : i32 to vector<16xi32>
      %add3A_135 = arith.addi %add3A_134, %iota3A : vector<16xi32>
      tpu.vector_store_idx %arg7[%get3A_132, %add3A_84, %add3A_135], %broadcast_in_dim3A_5 : memref<26x16x128xf32, #tpu.memory_space<vmem>>[vector<16xi32>, vector<16xi32>, vector<16xi32>], vector<16xf32>,
      %mul3A_136 = arith.constant 8 : i32
      %mul3A_137 = arith.muli %scan3A_79, %mul3A_136 : i32
      %add3A_138 = arith.constant 4 : i32
      %add3A_139 = arith.addi %mul3A_137, %add3A_138 : i32
      %mul3A_140 = arith.constant 16 : i32
      %mul3A_141 = arith.muli %add3A_139, %mul3A_140 : i32
      %add3A_142 = arith.constant 1024 : i32
      %add3A_143 = arith.addi %add3A_142, %mul3A_141 : i32
      %get3A_144 = arith.index_cast %add3A_143 : i32 to index
      %get3A_145 = tpu.vector_load %arg5[%get3A_144] {strides = array<i32>} : memref<2048xi32, #tpu.memory_space<vmem>>, vector<16xi32>,
      %add3A_146 = arith.constant 64 : i32
      %add3A_147 = vector.broadcast %add3A_146 : i32 to vector<16xi32>
      %add3A_148 = arith.addi %add3A_147, %iota3A : vector<16xi32>
      tpu.vector_store_idx %arg7[%get3A_145, %add3A_84, %add3A_148], %broadcast_in_dim3A_5 : memref<26x16x128xf32, #tpu.memory_space<vmem>>[vector<16xi32>, vector<16xi32>, vector<16xi32>], vector<16xf32>,
      %mul3A_149 = arith.constant 8 : i32
      %mul3A_150 = arith.muli %scan3A_79, %mul3A_149 : i32
      %add3A_151 = arith.constant 5 : i32
      %add3A_152 = arith.addi %mul3A_150, %add3A_151 : i32
      %mul3A_153 = arith.constant 16 : i32
      %mul3A_154 = arith.muli %add3A_152, %mul3A_153 : i32
      %add3A_155 = arith.constant 1024 : i32
      %add3A_156 = arith.addi %add3A_155, %mul3A_154 : i32
      %get3A_157 = arith.index_cast %add3A_156 : i32 to index
      %get3A_158 = tpu.vector_load %arg5[%get3A_157] {strides = array<i32>} : memref<2048xi32, #tpu.memory_space<vmem>>, vector<16xi32>,
      %add3A_159 = arith.constant 80 : i32
      %add3A_160 = vector.broadcast %add3A_159 : i32 to vector<16xi32>
      %add3A_161 = arith.addi %add3A_160, %iota3A : vector<16xi32>
      tpu.vector_store_idx %arg7[%get3A_158, %add3A_84, %add3A_161], %broadcast_in_dim3A_5 : memref<26x16x128xf32, #tpu.memory_space<vmem>>[vector<16xi32>, vector<16xi32>, vector<16xi32>], vector<16xf32>,
      %mul3A_162 = arith.constant 8 : i32
      %mul3A_163 = arith.muli %scan3A_79, %mul3A_162 : i32
      %add3A_164 = arith.constant 6 : i32
      %add3A_165 = arith.addi %mul3A_163, %add3A_164 : i32
      %mul3A_166 = arith.constant 16 : i32
      %mul3A_167 = arith.muli %add3A_165, %mul3A_166 : i32
      %add3A_168 = arith.constant 1024 : i32
      %add3A_169 = arith.addi %add3A_168, %mul3A_167 : i32
      %get3A_170 = arith.index_cast %add3A_169 : i32 to index
      %get3A_171 = tpu.vector_load %arg5[%get3A_170] {strides = array<i32>} : memref<2048xi32, #tpu.memory_space<vmem>>, vector<16xi32>,
      %add3A_172 = arith.constant 96 : i32
      %add3A_173 = vector.broadcast %add3A_172 : i32 to vector<16xi32>
      %add3A_174 = arith.addi %add3A_173, %iota3A : vector<16xi32>
      tpu.vector_store_idx %arg7[%get3A_171, %add3A_84, %add3A_174], %broadcast_in_dim3A_5 : memref<26x16x128xf32, #tpu.memory_space<vmem>>[vector<16xi32>, vector<16xi32>, vector<16xi32>], vector<16xf32>,
      %mul3A_175 = arith.constant 8 : i32
      %mul3A_176 = arith.muli %scan3A_79, %mul3A_175 : i32
      %add3A_177 = arith.constant 7 : i32
      %add3A_178 = arith.addi %mul3A_176, %add3A_177 : i32
      %mul3A_179 = arith.constant 16 : i32
      %mul3A_180 = arith.muli %add3A_178, %mul3A_179 : i32
      %add3A_181 = arith.constant 1024 : i32
      %add3A_182 = arith.addi %add3A_181, %mul3A_180 : i32
      %get3A_183 = arith.index_cast %add3A_182 : i32 to index
      %get3A_184 = tpu.vector_load %arg5[%get3A_183] {strides = array<i32>} : memref<2048xi32, #tpu.memory_space<vmem>>, vector<16xi32>,
      %add3A_185 = arith.constant 112 : i32
      %add3A_186 = vector.broadcast %add3A_185 : i32 to vector<16xi32>
      %add3A_187 = arith.addi %add3A_186, %iota3A : vector<16xi32>
      tpu.vector_store_idx %arg7[%get3A_184, %add3A_84, %add3A_187], %broadcast_in_dim3A_5 : memref<26x16x128xf32, #tpu.memory_space<vmem>>[vector<16xi32>, vector<16xi32>, vector<16xi32>], vector<16xf32>,
      %scan3A_188 = arith.constant 0 : i32
      scf.yield %scan3A_188 : i32
    }
    %scan3A_22 = arith.constant 8 : i32
    %mul3A_23 = arith.constant 8 : i32
    %mul3A_24 = arith.muli %add3A_7, %mul3A_23 : i32
    %dma_start3A = arith.constant 0 : i32
    %dma_start3A_25 = arith.constant 0 : i32
    %dma_start3A_26 = tpu.memref_slice %arg4[%dma_start3A, %mul3A_24, %dma_start3A_25] : memref<26x25600x128xf32, #tpu.memory_space<hbm>> -> memref<26x16x128xf32, #tpu.memory_space<hbm>>
    %dma_start3A_27 = arith.constant 0 : i32
    %dma_start3A_28 = arith.constant 0 : i32
    %dma_start3A_29 = tpu.memref_slice %arg4[%dma_start3A_27, %mul3A_24, %dma_start3A_28] : memref<26x25600x128xf32, #tpu.memory_space<hbm>> -> memref<26x16x128xf32, #tpu.memory_space<hbm>>
    tpu.enqueue_dma source(%arg7 : memref<26x16x128xf32, #tpu.memory_space<vmem>>) target(%dma_start3A_29 : memref<26x16x128xf32, #tpu.memory_space<hbm>>) target_semaphore(%arg9 : memref<!tpu.dma_semaphore, #tpu.memory_space<semaphore_mem>>)
    tpu.wait_dma2 semaphore(%arg10 : memref<!tpu.dma_semaphore, #tpu.memory_space<semaphore_mem>>) src(%arg3 : memref<26x16x128xf32, #tpu.memory_space<hbm>>) dst(%arg8 : memref<26x16x128xf32, #tpu.memory_space<vmem>>)
    %add3A_30 = arith.constant 2 : i32
    %add3A_31 = arith.addi %mul3A_2, %add3A_30 : i32
    %mul3A_32 = arith.constant 1024 : i32
    %mul3A_33 = arith.muli %add3A_31, %mul3A_32 : i32
    "tpu.region"() ({
      %run_scoped3A = tpu.sem_alloc : memref<!tpu.dma_semaphore, #tpu.memory_space<semaphore_mem>>
      %dma_start3A_79 = tpu.memref_slice %arg2[%mul3A_33] : memref<3276800xi32, #tpu.memory_space<hbm>> -> memref<2048xi32, #tpu.memory_space<hbm>>
      %dma_start3A_80 = tpu.memref_slice %arg2[%mul3A_33] : memref<3276800xi32, #tpu.memory_space<hbm>> -> memref<2048xi32, #tpu.memory_space<hbm>>
      tpu.enqueue_dma source(%dma_start3A_80 : memref<2048xi32, #tpu.memory_space<hbm>>) target(%arg6 : memref<2048xi32, #tpu.memory_space<vmem>>) target_semaphore(%run_scoped3A : memref<!tpu.dma_semaphore, #tpu.memory_space<semaphore_mem>>)
      %dma_wait3A_81 = tpu.memref_slice %arg2[%mul3A_33] : memref<3276800xi32, #tpu.memory_space<hbm>> -> memref<2048xi32, #tpu.memory_space<hbm>>
      %dma_wait3A_82 = tpu.memref_slice %arg2[%mul3A_33] : memref<3276800xi32, #tpu.memory_space<hbm>> -> memref<2048xi32, #tpu.memory_space<hbm>>
      tpu.wait_dma2 semaphore(%run_scoped3A : memref<!tpu.dma_semaphore, #tpu.memory_space<semaphore_mem>>) src(%dma_wait3A_82 : memref<2048xi32, #tpu.memory_space<hbm>>) dst(%arg6 : memref<2048xi32, #tpu.memory_space<vmem>>)
      tpu.yield
    }) : () -> ()
    %iota3A_34 = tpu.iota {dimensions = array<i32: 0>} : vector<16xi32>
    %scan3A_35 = arith.constant 0 : i32
    %scan3A_36 = arith.constant 0 : i32
    %scan3A_37 = arith.constant 8 : i32
    %scan3A_38 = arith.addi %scan3A_36, %scan3A_37 : i32
    %scan3A_39 = arith.constant 1 : i32
    %scan3A_40 = scf.for %scan3A_79 = %scan3A_36 to %scan3A_38 step %scan3A_39 iter_args(%scan3A_80 = %scan3A_35) -> (i32)  : i32 {
      %broadcast_in_dim3A_81 = arith.constant 0 : i32
      %broadcast_in_dim3A_82 = vector.broadcast %broadcast_in_dim3A_81 : i32 to vector<16xi32>
      %add3A_83 = vector.broadcast %scan3A_79 : i32 to vector<16xi32>
      %add3A_84 = arith.addi %broadcast_in_dim3A_82, %add3A_83 : vector<16xi32>
      %mul3A_85 = arith.constant 8 : i32
      %mul3A_86 = arith.muli %scan3A_79, %mul3A_85 : i32
      %add3A_87 = arith.constant 0 : i32
      %add3A_88 = arith.addi %mul3A_86, %add3A_87 : i32
      %mul3A_89 = arith.constant 16 : i32
      %mul3A_90 = arith.muli %add3A_88, %mul3A_89 : i32
      %add3A_91 = arith.constant 0 : i32
      %add3A_92 = arith.addi %add3A_91, %mul3A_90 : i32
      %get3A = arith.index_cast %add3A_92 : i32 to index
      %get3A_93 = tpu.vector_load %arg6[%get3A] {strides = array<i32>} : memref<2048xi32, #tpu.memory_space<vmem>>, vector<16xi32>,
      %add3A_94 = arith.constant 0 : i32
      %add3A_95 = vector.broadcast %add3A_94 : i32 to vector<16xi32>
      %add3A_96 = arith.addi %add3A_95, %iota3A_34 : vector<16xi32>
      tpu.vector_store_idx %arg8[%get3A_93, %add3A_84, %add3A_96], %broadcast_in_dim3A_5 : memref<26x16x128xf32, #tpu.memory_space<vmem>>[vector<16xi32>, vector<16xi32>, vector<16xi32>], vector<16xf32>,
      %mul3A_97 = arith.constant 8 : i32
      %mul3A_98 = arith.muli %scan3A_79, %mul3A_97 : i32
      %add3A_99 = arith.constant 1 : i32
      %add3A_100 = arith.addi %mul3A_98, %add3A_99 : i32
      %mul3A_101 = arith.constant 16 : i32
      %mul3A_102 = arith.muli %add3A_100, %mul3A_101 : i32
      %add3A_103 = arith.constant 0 : i32
      %add3A_104 = arith.addi %add3A_103, %mul3A_102 : i32
      %get3A_105 = arith.index_cast %add3A_104 : i32 to index
      %get3A_106 = tpu.vector_load %arg6[%get3A_105] {strides = array<i32>} : memref<2048xi32, #tpu.memory_space<vmem>>, vector<16xi32>,
      %add3A_107 = arith.constant 16 : i32
      %add3A_108 = vector.broadcast %add3A_107 : i32 to vector<16xi32>
      %add3A_109 = arith.addi %add3A_108, %iota3A_34 : vector<16xi32>
      tpu.vector_store_idx %arg8[%get3A_106, %add3A_84, %add3A_109], %broadcast_in_dim3A_5 : memref<26x16x128xf32, #tpu.memory_space<vmem>>[vector<16xi32>, vector<16xi32>, vector<16xi32>], vector<16xf32>,
      %mul3A_110 = arith.constant 8 : i32
      %mul3A_111 = arith.muli %scan3A_79, %mul3A_110 : i32
      %add3A_112 = arith.constant 2 : i32
      %add3A_113 = arith.addi %mul3A_111, %add3A_112 : i32
      %mul3A_114 = arith.constant 16 : i32
      %mul3A_115 = arith.muli %add3A_113, %mul3A_114 : i32
      %add3A_116 = arith.constant 0 : i32
      %add3A_117 = arith.addi %add3A_116, %mul3A_115 : i32
      %get3A_118 = arith.index_cast %add3A_117 : i32 to index
      %get3A_119 = tpu.vector_load %arg6[%get3A_118] {strides = array<i32>} : memref<2048xi32, #tpu.memory_space<vmem>>, vector<16xi32>,
      %add3A_120 = arith.constant 32 : i32
      %add3A_121 = vector.broadcast %add3A_120 : i32 to vector<16xi32>
      %add3A_122 = arith.addi %add3A_121, %iota3A_34 : vector<16xi32>
      tpu.vector_store_idx %arg8[%get3A_119, %add3A_84, %add3A_122], %broadcast_in_dim3A_5 : memref<26x16x128xf32, #tpu.memory_space<vmem>>[vector<16xi32>, vector<16xi32>, vector<16xi32>], vector<16xf32>,
      %mul3A_123 = arith.constant 8 : i32
      %mul3A_124 = arith.muli %scan3A_79, %mul3A_123 : i32
      %add3A_125 = arith.constant 3 : i32
      %add3A_126 = arith.addi %mul3A_124, %add3A_125 : i32
      %mul3A_127 = arith.constant 16 : i32
      %mul3A_128 = arith.muli %add3A_126, %mul3A_127 : i32
      %add3A_129 = arith.constant 0 : i32
      %add3A_130 = arith.addi %add3A_129, %mul3A_128 : i32
      %get3A_131 = arith.index_cast %add3A_130 : i32 to index
      %get3A_132 = tpu.vector_load %arg6[%get3A_131] {strides = array<i32>} : memref<2048xi32, #tpu.memory_space<vmem>>, vector<16xi32>,
      %add3A_133 = arith.constant 48 : i32
      %add3A_134 = vector.broadcast %add3A_133 : i32 to vector<16xi32>
      %add3A_135 = arith.addi %add3A_134, %iota3A_34 : vector<16xi32>
      tpu.vector_store_idx %arg8[%get3A_132, %add3A_84, %add3A_135], %broadcast_in_dim3A_5 : memref<26x16x128xf32, #tpu.memory_space<vmem>>[vector<16xi32>, vector<16xi32>, vector<16xi32>], vector<16xf32>,
      %mul3A_136 = arith.constant 8 : i32
      %mul3A_137 = arith.muli %scan3A_79, %mul3A_136 : i32
      %add3A_138 = arith.constant 4 : i32
      %add3A_139 = arith.addi %mul3A_137, %add3A_138 : i32
      %mul3A_140 = arith.constant 16 : i32
      %mul3A_141 = arith.muli %add3A_139, %mul3A_140 : i32
      %add3A_142 = arith.constant 0 : i32
      %add3A_143 = arith.addi %add3A_142, %mul3A_141 : i32
      %get3A_144 = arith.index_cast %add3A_143 : i32 to index
      %get3A_145 = tpu.vector_load %arg6[%get3A_144] {strides = array<i32>} : memref<2048xi32, #tpu.memory_space<vmem>>, vector<16xi32>,
      %add3A_146 = arith.constant 64 : i32
      %add3A_147 = vector.broadcast %add3A_146 : i32 to vector<16xi32>
      %add3A_148 = arith.addi %add3A_147, %iota3A_34 : vector<16xi32>
      tpu.vector_store_idx %arg8[%get3A_145, %add3A_84, %add3A_148], %broadcast_in_dim3A_5 : memref<26x16x128xf32, #tpu.memory_space<vmem>>[vector<16xi32>, vector<16xi32>, vector<16xi32>], vector<16xf32>,
      %mul3A_149 = arith.constant 8 : i32
      %mul3A_150 = arith.muli %scan3A_79, %mul3A_149 : i32
      %add3A_151 = arith.constant 5 : i32
      %add3A_152 = arith.addi %mul3A_150, %add3A_151 : i32
      %mul3A_153 = arith.constant 16 : i32
      %mul3A_154 = arith.muli %add3A_152, %mul3A_153 : i32
      %add3A_155 = arith.constant 0 : i32
      %add3A_156 = arith.addi %add3A_155, %mul3A_154 : i32
      %get3A_157 = arith.index_cast %add3A_156 : i32 to index
      %get3A_158 = tpu.vector_load %arg6[%get3A_157] {strides = array<i32>} : memref<2048xi32, #tpu.memory_space<vmem>>, vector<16xi32>,
      %add3A_159 = arith.constant 80 : i32
      %add3A_160 = vector.broadcast %add3A_159 : i32 to vector<16xi32>
      %add3A_161 = arith.addi %add3A_160, %iota3A_34 : vector<16xi32>
      tpu.vector_store_idx %arg8[%get3A_158, %add3A_84, %add3A_161], %broadcast_in_dim3A_5 : memref<26x16x128xf32, #tpu.memory_space<vmem>>[vector<16xi32>, vector<16xi32>, vector<16xi32>], vector<16xf32>,
      %mul3A_162 = arith.constant 8 : i32
      %mul3A_163 = arith.muli %scan3A_79, %mul3A_162 : i32
      %add3A_164 = arith.constant 6 : i32
      %add3A_165 = arith.addi %mul3A_163, %add3A_164 : i32
      %mul3A_166 = arith.constant 16 : i32
      %mul3A_167 = arith.muli %add3A_165, %mul3A_166 : i32
      %add3A_168 = arith.constant 0 : i32
      %add3A_169 = arith.addi %add3A_168, %mul3A_167 : i32
      %get3A_170 = arith.index_cast %add3A_169 : i32 to index
      %get3A_171 = tpu.vector_load %arg6[%get3A_170] {strides = array<i32>} : memref<2048xi32, #tpu.memory_space<vmem>>, vector<16xi32>,
      %add3A_172 = arith.constant 96 : i32
      %add3A_173 = vector.broadcast %add3A_172 : i32 to vector<16xi32>
      %add3A_174 = arith.addi %add3A_173, %iota3A_34 : vector<16xi32>
      tpu.vector_store_idx %arg8[%get3A_171, %add3A_84, %add3A_174], %broadcast_in_dim3A_5 : memref<26x16x128xf32, #tpu.memory_space<vmem>>[vector<16xi32>, vector<16xi32>, vector<16xi32>], vector<16xf32>,
      %mul3A_175 = arith.constant 8 : i32
      %mul3A_176 = arith.muli %scan3A_79, %mul3A_175 : i32
      %add3A_177 = arith.constant 7 : i32
      %add3A_178 = arith.addi %mul3A_176, %add3A_177 : i32
      %mul3A_179 = arith.constant 16 : i32
      %mul3A_180 = arith.muli %add3A_178, %mul3A_179 : i32
      %add3A_181 = arith.constant 0 : i32
      %add3A_182 = arith.addi %add3A_181, %mul3A_180 : i32
      %get3A_183 = arith.index_cast %add3A_182 : i32 to index
      %get3A_184 = tpu.vector_load %arg6[%get3A_183] {strides = array<i32>} : memref<2048xi32, #tpu.memory_space<vmem>>, vector<16xi32>,
      %add3A_185 = arith.constant 112 : i32
      %add3A_186 = vector.broadcast %add3A_185 : i32 to vector<16xi32>
      %add3A_187 = arith.addi %add3A_186, %iota3A_34 : vector<16xi32>
      tpu.vector_store_idx %arg8[%get3A_184, %add3A_84, %add3A_187], %broadcast_in_dim3A_5 : memref<26x16x128xf32, #tpu.memory_space<vmem>>[vector<16xi32>, vector<16xi32>, vector<16xi32>], vector<16xf32>,
      %scan3A_188 = arith.constant 0 : i32
      scf.yield %scan3A_188 : i32
    }
    %scan3A_41 = arith.constant 8 : i32
    %scan3A_42 = arith.constant 0 : i32
    %scan3A_43 = arith.constant 0 : i32
    %scan3A_44 = arith.constant 8 : i32
    %scan3A_45 = arith.addi %scan3A_43, %scan3A_44 : i32
    %scan3A_46 = arith.constant 1 : i32
    %scan3A_47 = scf.for %scan3A_79 = %scan3A_43 to %scan3A_45 step %scan3A_46 iter_args(%scan3A_80 = %scan3A_42) -> (i32)  : i32 {
      %broadcast_in_dim3A_81 = arith.constant 8 : i32
      %broadcast_in_dim3A_82 = vector.broadcast %broadcast_in_dim3A_81 : i32 to vector<16xi32>
      %add3A_83 = vector.broadcast %scan3A_79 : i32 to vector<16xi32>
      %add3A_84 = arith.addi %broadcast_in_dim3A_82, %add3A_83 : vector<16xi32>
      %mul3A_85 = arith.constant 8 : i32
      %mul3A_86 = arith.muli %scan3A_79, %mul3A_85 : i32
      %add3A_87 = arith.constant 0 : i32
      %add3A_88 = arith.addi %mul3A_86, %add3A_87 : i32
      %mul3A_89 = arith.constant 16 : i32
      %mul3A_90 = arith.muli %add3A_88, %mul3A_89 : i32
      %add3A_91 = arith.constant 1024 : i32
      %add3A_92 = arith.addi %add3A_91, %mul3A_90 : i32
      %get3A = arith.index_cast %add3A_92 : i32 to index
      %get3A_93 = tpu.vector_load %arg6[%get3A] {strides = array<i32>} : memref<2048xi32, #tpu.memory_space<vmem>>, vector<16xi32>,
      %add3A_94 = arith.constant 0 : i32
      %add3A_95 = vector.broadcast %add3A_94 : i32 to vector<16xi32>
      %add3A_96 = arith.addi %add3A_95, %iota3A_34 : vector<16xi32>
      tpu.vector_store_idx %arg8[%get3A_93, %add3A_84, %add3A_96], %broadcast_in_dim3A_5 : memref<26x16x128xf32, #tpu.memory_space<vmem>>[vector<16xi32>, vector<16xi32>, vector<16xi32>], vector<16xf32>,
      %mul3A_97 = arith.constant 8 : i32
      %mul3A_98 = arith.muli %scan3A_79, %mul3A_97 : i32
      %add3A_99 = arith.constant 1 : i32
      %add3A_100 = arith.addi %mul3A_98, %add3A_99 : i32
      %mul3A_101 = arith.constant 16 : i32
      %mul3A_102 = arith.muli %add3A_100, %mul3A_101 : i32
      %add3A_103 = arith.constant 1024 : i32
      %add3A_104 = arith.addi %add3A_103, %mul3A_102 : i32
      %get3A_105 = arith.index_cast %add3A_104 : i32 to index
      %get3A_106 = tpu.vector_load %arg6[%get3A_105] {strides = array<i32>} : memref<2048xi32, #tpu.memory_space<vmem>>, vector<16xi32>,
      %add3A_107 = arith.constant 16 : i32
      %add3A_108 = vector.broadcast %add3A_107 : i32 to vector<16xi32>
      %add3A_109 = arith.addi %add3A_108, %iota3A_34 : vector<16xi32>
      tpu.vector_store_idx %arg8[%get3A_106, %add3A_84, %add3A_109], %broadcast_in_dim3A_5 : memref<26x16x128xf32, #tpu.memory_space<vmem>>[vector<16xi32>, vector<16xi32>, vector<16xi32>], vector<16xf32>,
      %mul3A_110 = arith.constant 8 : i32
      %mul3A_111 = arith.muli %scan3A_79, %mul3A_110 : i32
      %add3A_112 = arith.constant 2 : i32
      %add3A_113 = arith.addi %mul3A_111, %add3A_112 : i32
      %mul3A_114 = arith.constant 16 : i32
      %mul3A_115 = arith.muli %add3A_113, %mul3A_114 : i32
      %add3A_116 = arith.constant 1024 : i32
      %add3A_117 = arith.addi %add3A_116, %mul3A_115 : i32
      %get3A_118 = arith.index_cast %add3A_117 : i32 to index
      %get3A_119 = tpu.vector_load %arg6[%get3A_118] {strides = array<i32>} : memref<2048xi32, #tpu.memory_space<vmem>>, vector<16xi32>,
      %add3A_120 = arith.constant 32 : i32
      %add3A_121 = vector.broadcast %add3A_120 : i32 to vector<16xi32>
      %add3A_122 = arith.addi %add3A_121, %iota3A_34 : vector<16xi32>
      tpu.vector_store_idx %arg8[%get3A_119, %add3A_84, %add3A_122], %broadcast_in_dim3A_5 : memref<26x16x128xf32, #tpu.memory_space<vmem>>[vector<16xi32>, vector<16xi32>, vector<16xi32>], vector<16xf32>,
      %mul3A_123 = arith.constant 8 : i32
      %mul3A_124 = arith.muli %scan3A_79, %mul3A_123 : i32
      %add3A_125 = arith.constant 3 : i32
      %add3A_126 = arith.addi %mul3A_124, %add3A_125 : i32
      %mul3A_127 = arith.constant 16 : i32
      %mul3A_128 = arith.muli %add3A_126, %mul3A_127 : i32
      %add3A_129 = arith.constant 1024 : i32
      %add3A_130 = arith.addi %add3A_129, %mul3A_128 : i32
      %get3A_131 = arith.index_cast %add3A_130 : i32 to index
      %get3A_132 = tpu.vector_load %arg6[%get3A_131] {strides = array<i32>} : memref<2048xi32, #tpu.memory_space<vmem>>, vector<16xi32>,
      %add3A_133 = arith.constant 48 : i32
      %add3A_134 = vector.broadcast %add3A_133 : i32 to vector<16xi32>
      %add3A_135 = arith.addi %add3A_134, %iota3A_34 : vector<16xi32>
      tpu.vector_store_idx %arg8[%get3A_132, %add3A_84, %add3A_135], %broadcast_in_dim3A_5 : memref<26x16x128xf32, #tpu.memory_space<vmem>>[vector<16xi32>, vector<16xi32>, vector<16xi32>], vector<16xf32>,
      %mul3A_136 = arith.constant 8 : i32
      %mul3A_137 = arith.muli %scan3A_79, %mul3A_136 : i32
      %add3A_138 = arith.constant 4 : i32
      %add3A_139 = arith.addi %mul3A_137, %add3A_138 : i32
      %mul3A_140 = arith.constant 16 : i32
      %mul3A_141 = arith.muli %add3A_139, %mul3A_140 : i32
      %add3A_142 = arith.constant 1024 : i32
      %add3A_143 = arith.addi %add3A_142, %mul3A_141 : i32
      %get3A_144 = arith.index_cast %add3A_143 : i32 to index
      %get3A_145 = tpu.vector_load %arg6[%get3A_144] {strides = array<i32>} : memref<2048xi32, #tpu.memory_space<vmem>>, vector<16xi32>,
      %add3A_146 = arith.constant 64 : i32
      %add3A_147 = vector.broadcast %add3A_146 : i32 to vector<16xi32>
      %add3A_148 = arith.addi %add3A_147, %iota3A_34 : vector<16xi32>
      tpu.vector_store_idx %arg8[%get3A_145, %add3A_84, %add3A_148], %broadcast_in_dim3A_5 : memref<26x16x128xf32, #tpu.memory_space<vmem>>[vector<16xi32>, vector<16xi32>, vector<16xi32>], vector<16xf32>,
      %mul3A_149 = arith.constant 8 : i32
      %mul3A_150 = arith.muli %scan3A_79, %mul3A_149 : i32
      %add3A_151 = arith.constant 5 : i32
      %add3A_152 = arith.addi %mul3A_150, %add3A_151 : i32
      %mul3A_153 = arith.constant 16 : i32
      %mul3A_154 = arith.muli %add3A_152, %mul3A_153 : i32
      %add3A_155 = arith.constant 1024 : i32
      %add3A_156 = arith.addi %add3A_155, %mul3A_154 : i32
      %get3A_157 = arith.index_cast %add3A_156 : i32 to index
      %get3A_158 = tpu.vector_load %arg6[%get3A_157] {strides = array<i32>} : memref<2048xi32, #tpu.memory_space<vmem>>, vector<16xi32>,
      %add3A_159 = arith.constant 80 : i32
      %add3A_160 = vector.broadcast %add3A_159 : i32 to vector<16xi32>
      %add3A_161 = arith.addi %add3A_160, %iota3A_34 : vector<16xi32>
      tpu.vector_store_idx %arg8[%get3A_158, %add3A_84, %add3A_161], %broadcast_in_dim3A_5 : memref<26x16x128xf32, #tpu.memory_space<vmem>>[vector<16xi32>, vector<16xi32>, vector<16xi32>], vector<16xf32>,
      %mul3A_162 = arith.constant 8 : i32
      %mul3A_163 = arith.muli %scan3A_79, %mul3A_162 : i32
      %add3A_164 = arith.constant 6 : i32
      %add3A_165 = arith.addi %mul3A_163, %add3A_164 : i32
      %mul3A_166 = arith.constant 16 : i32
      %mul3A_167 = arith.muli %add3A_165, %mul3A_166 : i32
      %add3A_168 = arith.constant 1024 : i32
      %add3A_169 = arith.addi %add3A_168, %mul3A_167 : i32
      %get3A_170 = arith.index_cast %add3A_169 : i32 to index
      %get3A_171 = tpu.vector_load %arg6[%get3A_170] {strides = array<i32>} : memref<2048xi32, #tpu.memory_space<vmem>>, vector<16xi32>,
      %add3A_172 = arith.constant 96 : i32
      %add3A_173 = vector.broadcast %add3A_172 : i32 to vector<16xi32>
      %add3A_174 = arith.addi %add3A_173, %iota3A_34 : vector<16xi32>
      tpu.vector_store_idx %arg8[%get3A_171, %add3A_84, %add3A_174], %broadcast_in_dim3A_5 : memref<26x16x128xf32, #tpu.memory_space<vmem>>[vector<16xi32>, vector<16xi32>, vector<16xi32>], vector<16xf32>,
      %mul3A_175 = arith.constant 8 : i32
      %mul3A_176 = arith.muli %scan3A_79, %mul3A_175 : i32
      %add3A_177 = arith.constant 7 : i32
      %add3A_178 = arith.addi %mul3A_176, %add3A_177 : i32
      %mul3A_179 = arith.constant 16 : i32
      %mul3A_180 = arith.muli %add3A_178, %mul3A_179 : i32
      %add3A_181 = arith.constant 1024 : i32
      %add3A_182 = arith.addi %add3A_181, %mul3A_180 : i32
      %get3A_183 = arith.index_cast %add3A_182 : i32 to index
      %get3A_184 = tpu.vector_load %arg6[%get3A_183] {strides = array<i32>} : memref<2048xi32, #tpu.memory_space<vmem>>, vector<16xi32>,
      %add3A_185 = arith.constant 112 : i32
      %add3A_186 = vector.broadcast %add3A_185 : i32 to vector<16xi32>
      %add3A_187 = arith.addi %add3A_186, %iota3A_34 : vector<16xi32>
      tpu.vector_store_idx %arg8[%get3A_184, %add3A_84, %add3A_187], %broadcast_in_dim3A_5 : memref<26x16x128xf32, #tpu.memory_space<vmem>>[vector<16xi32>, vector<16xi32>, vector<16xi32>], vector<16xf32>,
      %scan3A_188 = arith.constant 0 : i32
      scf.yield %scan3A_188 : i32
    }
    %scan3A_48 = arith.constant 8 : i32
    %mul3A_49 = arith.constant 8 : i32
    %mul3A_50 = arith.muli %add3A_31, %mul3A_49 : i32
    %dma_start3A_51 = arith.constant 0 : i32
    %dma_start3A_52 = arith.constant 0 : i32
    %dma_start3A_53 = tpu.memref_slice %arg4[%dma_start3A_51, %mul3A_50, %dma_start3A_52] : memref<26x25600x128xf32, #tpu.memory_space<hbm>> -> memref<26x16x128xf32, #tpu.memory_space<hbm>>
    %dma_start3A_54 = arith.constant 0 : i32
    %dma_start3A_55 = arith.constant 0 : i32
    %dma_start3A_56 = tpu.memref_slice %arg4[%dma_start3A_54, %mul3A_50, %dma_start3A_55] : memref<26x25600x128xf32, #tpu.memory_space<hbm>> -> memref<26x16x128xf32, #tpu.memory_space<hbm>>
    tpu.enqueue_dma source(%arg8 : memref<26x16x128xf32, #tpu.memory_space<vmem>>) target(%dma_start3A_56 : memref<26x16x128xf32, #tpu.memory_space<hbm>>) target_semaphore(%arg10 : memref<!tpu.dma_semaphore, #tpu.memory_space<semaphore_mem>>)
    %scan3A_57 = arith.constant 0 : i32
    %scan3A_58 = arith.constant 1 : i32
    %scan3A_59 = arith.constant 24 : i32
    %scan3A_60 = arith.addi %scan3A_58, %scan3A_59 : i32
    %scan3A_61 = arith.constant 1 : i32
    %scan3A_62 = scf.for %scan3A_79 = %scan3A_58 to %scan3A_60 step %scan3A_61 iter_args(%scan3A_80 = %scan3A_57) -> (i32)  : i32 {
      %mul3A_81 = arith.constant 2 : i32
      %mul3A_82 = arith.muli %scan3A_79, %mul3A_81 : i32
      %add3A_83 = arith.constant 0 : i32
      %add3A_84 = arith.addi %mul3A_82, %add3A_83 : i32
      %dma_wait3A_85 = arith.constant 0 : i32
      %dma_wait3A_86 = arith.constant 0 : i32
      %dma_wait3A_87 = arith.constant 0 : i32
      %dma_wait3A_88 = tpu.memref_slice %arg4[%dma_wait3A_85, %dma_wait3A_86, %dma_wait3A_87] : memref<26x25600x128xf32, #tpu.memory_space<hbm>> -> memref<26x16x128xf32, #tpu.memory_space<hbm>>
      %dma_wait3A_89 = arith.constant 0 : i32
      %dma_wait3A_90 = arith.constant 0 : i32
      %dma_wait3A_91 = arith.constant 0 : i32
      %dma_wait3A_92 = tpu.memref_slice %arg4[%dma_wait3A_89, %dma_wait3A_90, %dma_wait3A_91] : memref<26x25600x128xf32, #tpu.memory_space<hbm>> -> memref<26x16x128xf32, #tpu.memory_space<hbm>>
      tpu.wait_dma2 semaphore(%arg9 : memref<!tpu.dma_semaphore, #tpu.memory_space<semaphore_mem>>) src(%arg7 : memref<26x16x128xf32, #tpu.memory_space<vmem>>) dst(%dma_wait3A_92 : memref<26x16x128xf32, #tpu.memory_space<hbm>>)
      %iota3A_93 = tpu.iota {dimensions = array<i32: 0>} : vector<16xi32>
      %scan3A_94 = arith.constant 0 : i32
      %scan3A_95 = arith.constant 0 : i32
      %scan3A_96 = arith.constant 8 : i32
      %scan3A_97 = arith.addi %scan3A_95, %scan3A_96 : i32
      %scan3A_98 = arith.constant 1 : i32
      %scan3A_99 = scf.for %scan3A_192 = %scan3A_95 to %scan3A_97 step %scan3A_98 iter_args(%scan3A_193 = %scan3A_94) -> (i32)  : i32 {
        %broadcast_in_dim3A_194 = arith.constant 0 : i32
        %broadcast_in_dim3A_195 = vector.broadcast %broadcast_in_dim3A_194 : i32 to vector<16xi32>
        %add3A_196 = vector.broadcast %scan3A_192 : i32 to vector<16xi32>
        %add3A_197 = arith.addi %broadcast_in_dim3A_195, %add3A_196 : vector<16xi32>
        %mul3A_198 = arith.constant 8 : i32
        %mul3A_199 = arith.muli %scan3A_192, %mul3A_198 : i32
        %add3A_200 = arith.constant 0 : i32
        %add3A_201 = arith.addi %mul3A_199, %add3A_200 : i32
        %mul3A_202 = arith.constant 16 : i32
        %mul3A_203 = arith.muli %add3A_201, %mul3A_202 : i32
        %add3A_204 = arith.constant 0 : i32
        %add3A_205 = arith.addi %add3A_204, %mul3A_203 : i32
        %get3A = arith.index_cast %add3A_205 : i32 to index
        %get3A_206 = tpu.vector_load %arg5[%get3A] {strides = array<i32>} : memref<2048xi32, #tpu.memory_space<vmem>>, vector<16xi32>,
        %add3A_207 = arith.constant 0 : i32
        %add3A_208 = vector.broadcast %add3A_207 : i32 to vector<16xi32>
        %add3A_209 = arith.addi %add3A_208, %iota3A_93 : vector<16xi32>
        tpu.vector_store_idx %arg7[%get3A_206, %add3A_197, %add3A_209], %broadcast_in_dim3A_3 : memref<26x16x128xf32, #tpu.memory_space<vmem>>[vector<16xi32>, vector<16xi32>, vector<16xi32>], vector<16xf32>,
        %mul3A_210 = arith.constant 8 : i32
        %mul3A_211 = arith.muli %scan3A_192, %mul3A_210 : i32
        %add3A_212 = arith.constant 1 : i32
        %add3A_213 = arith.addi %mul3A_211, %add3A_212 : i32
        %mul3A_214 = arith.constant 16 : i32
        %mul3A_215 = arith.muli %add3A_213, %mul3A_214 : i32
        %add3A_216 = arith.constant 0 : i32
        %add3A_217 = arith.addi %add3A_216, %mul3A_215 : i32
        %get3A_218 = arith.index_cast %add3A_217 : i32 to index
        %get3A_219 = tpu.vector_load %arg5[%get3A_218] {strides = array<i32>} : memref<2048xi32, #tpu.memory_space<vmem>>, vector<16xi32>,
        %add3A_220 = arith.constant 16 : i32
        %add3A_221 = vector.broadcast %add3A_220 : i32 to vector<16xi32>
        %add3A_222 = arith.addi %add3A_221, %iota3A_93 : vector<16xi32>
        tpu.vector_store_idx %arg7[%get3A_219, %add3A_197, %add3A_222], %broadcast_in_dim3A_3 : memref<26x16x128xf32, #tpu.memory_space<vmem>>[vector<16xi32>, vector<16xi32>, vector<16xi32>], vector<16xf32>,
        %mul3A_223 = arith.constant 8 : i32
        %mul3A_224 = arith.muli %scan3A_192, %mul3A_223 : i32
        %add3A_225 = arith.constant 2 : i32
        %add3A_226 = arith.addi %mul3A_224, %add3A_225 : i32
        %mul3A_227 = arith.constant 16 : i32
        %mul3A_228 = arith.muli %add3A_226, %mul3A_227 : i32
        %add3A_229 = arith.constant 0 : i32
        %add3A_230 = arith.addi %add3A_229, %mul3A_228 : i32
        %get3A_231 = arith.index_cast %add3A_230 : i32 to index
        %get3A_232 = tpu.vector_load %arg5[%get3A_231] {strides = array<i32>} : memref<2048xi32, #tpu.memory_space<vmem>>, vector<16xi32>,
        %add3A_233 = arith.constant 32 : i32
        %add3A_234 = vector.broadcast %add3A_233 : i32 to vector<16xi32>
        %add3A_235 = arith.addi %add3A_234, %iota3A_93 : vector<16xi32>
        tpu.vector_store_idx %arg7[%get3A_232, %add3A_197, %add3A_235], %broadcast_in_dim3A_3 : memref<26x16x128xf32, #tpu.memory_space<vmem>>[vector<16xi32>, vector<16xi32>, vector<16xi32>], vector<16xf32>,
        %mul3A_236 = arith.constant 8 : i32
        %mul3A_237 = arith.muli %scan3A_192, %mul3A_236 : i32
        %add3A_238 = arith.constant 3 : i32
        %add3A_239 = arith.addi %mul3A_237, %add3A_238 : i32
        %mul3A_240 = arith.constant 16 : i32
        %mul3A_241 = arith.muli %add3A_239, %mul3A_240 : i32
        %add3A_242 = arith.constant 0 : i32
        %add3A_243 = arith.addi %add3A_242, %mul3A_241 : i32
        %get3A_244 = arith.index_cast %add3A_243 : i32 to index
        %get3A_245 = tpu.vector_load %arg5[%get3A_244] {strides = array<i32>} : memref<2048xi32, #tpu.memory_space<vmem>>, vector<16xi32>,
        %add3A_246 = arith.constant 48 : i32
        %add3A_247 = vector.broadcast %add3A_246 : i32 to vector<16xi32>
        %add3A_248 = arith.addi %add3A_247, %iota3A_93 : vector<16xi32>
        tpu.vector_store_idx %arg7[%get3A_245, %add3A_197, %add3A_248], %broadcast_in_dim3A_3 : memref<26x16x128xf32, #tpu.memory_space<vmem>>[vector<16xi32>, vector<16xi32>, vector<16xi32>], vector<16xf32>,
        %mul3A_249 = arith.constant 8 : i32
        %mul3A_250 = arith.muli %scan3A_192, %mul3A_249 : i32
        %add3A_251 = arith.constant 4 : i32
        %add3A_252 = arith.addi %mul3A_250, %add3A_251 : i32
        %mul3A_253 = arith.constant 16 : i32
        %mul3A_254 = arith.muli %add3A_252, %mul3A_253 : i32
        %add3A_255 = arith.constant 0 : i32
        %add3A_256 = arith.addi %add3A_255, %mul3A_254 : i32
        %get3A_257 = arith.index_cast %add3A_256 : i32 to index
        %get3A_258 = tpu.vector_load %arg5[%get3A_257] {strides = array<i32>} : memref<2048xi32, #tpu.memory_space<vmem>>, vector<16xi32>,
        %add3A_259 = arith.constant 64 : i32
        %add3A_260 = vector.broadcast %add3A_259 : i32 to vector<16xi32>
        %add3A_261 = arith.addi %add3A_260, %iota3A_93 : vector<16xi32>
        tpu.vector_store_idx %arg7[%get3A_258, %add3A_197, %add3A_261], %broadcast_in_dim3A_3 : memref<26x16x128xf32, #tpu.memory_space<vmem>>[vector<16xi32>, vector<16xi32>, vector<16xi32>], vector<16xf32>,
        %mul3A_262 = arith.constant 8 : i32
        %mul3A_263 = arith.muli %scan3A_192, %mul3A_262 : i32
        %add3A_264 = arith.constant 5 : i32
        %add3A_265 = arith.addi %mul3A_263, %add3A_264 : i32
        %mul3A_266 = arith.constant 16 : i32
        %mul3A_267 = arith.muli %add3A_265, %mul3A_266 : i32
        %add3A_268 = arith.constant 0 : i32
        %add3A_269 = arith.addi %add3A_268, %mul3A_267 : i32
        %get3A_270 = arith.index_cast %add3A_269 : i32 to index
        %get3A_271 = tpu.vector_load %arg5[%get3A_270] {strides = array<i32>} : memref<2048xi32, #tpu.memory_space<vmem>>, vector<16xi32>,
        %add3A_272 = arith.constant 80 : i32
        %add3A_273 = vector.broadcast %add3A_272 : i32 to vector<16xi32>
        %add3A_274 = arith.addi %add3A_273, %iota3A_93 : vector<16xi32>
        tpu.vector_store_idx %arg7[%get3A_271, %add3A_197, %add3A_274], %broadcast_in_dim3A_3 : memref<26x16x128xf32, #tpu.memory_space<vmem>>[vector<16xi32>, vector<16xi32>, vector<16xi32>], vector<16xf32>,
        %mul3A_275 = arith.constant 8 : i32
        %mul3A_276 = arith.muli %scan3A_192, %mul3A_275 : i32
        %add3A_277 = arith.constant 6 : i32
        %add3A_278 = arith.addi %mul3A_276, %add3A_277 : i32
        %mul3A_279 = arith.constant 16 : i32
        %mul3A_280 = arith.muli %add3A_278, %mul3A_279 : i32
        %add3A_281 = arith.constant 0 : i32
        %add3A_282 = arith.addi %add3A_281, %mul3A_280 : i32
        %get3A_283 = arith.index_cast %add3A_282 : i32 to index
        %get3A_284 = tpu.vector_load %arg5[%get3A_283] {strides = array<i32>} : memref<2048xi32, #tpu.memory_space<vmem>>, vector<16xi32>,
        %add3A_285 = arith.constant 96 : i32
        %add3A_286 = vector.broadcast %add3A_285 : i32 to vector<16xi32>
        %add3A_287 = arith.addi %add3A_286, %iota3A_93 : vector<16xi32>
        tpu.vector_store_idx %arg7[%get3A_284, %add3A_197, %add3A_287], %broadcast_in_dim3A_3 : memref<26x16x128xf32, #tpu.memory_space<vmem>>[vector<16xi32>, vector<16xi32>, vector<16xi32>], vector<16xf32>,
        %mul3A_288 = arith.constant 8 : i32
        %mul3A_289 = arith.muli %scan3A_192, %mul3A_288 : i32
        %add3A_290 = arith.constant 7 : i32
        %add3A_291 = arith.addi %mul3A_289, %add3A_290 : i32
        %mul3A_292 = arith.constant 16 : i32
        %mul3A_293 = arith.muli %add3A_291, %mul3A_292 : i32
        %add3A_294 = arith.constant 0 : i32
        %add3A_295 = arith.addi %add3A_294, %mul3A_293 : i32
        %get3A_296 = arith.index_cast %add3A_295 : i32 to index
        %get3A_297 = tpu.vector_load %arg5[%get3A_296] {strides = array<i32>} : memref<2048xi32, #tpu.memory_space<vmem>>, vector<16xi32>,
        %add3A_298 = arith.constant 112 : i32
        %add3A_299 = vector.broadcast %add3A_298 : i32 to vector<16xi32>
        %add3A_300 = arith.addi %add3A_299, %iota3A_93 : vector<16xi32>
        tpu.vector_store_idx %arg7[%get3A_297, %add3A_197, %add3A_300], %broadcast_in_dim3A_3 : memref<26x16x128xf32, #tpu.memory_space<vmem>>[vector<16xi32>, vector<16xi32>, vector<16xi32>], vector<16xf32>,
        %scan3A_301 = arith.constant 0 : i32
        scf.yield %scan3A_301 : i32
      }
      %scan3A_100 = arith.constant 8 : i32
      %scan3A_101 = arith.constant 0 : i32
      %scan3A_102 = arith.constant 0 : i32
      %scan3A_103 = arith.constant 8 : i32
      %scan3A_104 = arith.addi %scan3A_102, %scan3A_103 : i32
      %scan3A_105 = arith.constant 1 : i32
      %scan3A_106 = scf.for %scan3A_192 = %scan3A_102 to %scan3A_104 step %scan3A_105 iter_args(%scan3A_193 = %scan3A_101) -> (i32)  : i32 {
        %broadcast_in_dim3A_194 = arith.constant 8 : i32
        %broadcast_in_dim3A_195 = vector.broadcast %broadcast_in_dim3A_194 : i32 to vector<16xi32>
        %add3A_196 = vector.broadcast %scan3A_192 : i32 to vector<16xi32>
        %add3A_197 = arith.addi %broadcast_in_dim3A_195, %add3A_196 : vector<16xi32>
        %mul3A_198 = arith.constant 8 : i32
        %mul3A_199 = arith.muli %scan3A_192, %mul3A_198 : i32
        %add3A_200 = arith.constant 0 : i32
        %add3A_201 = arith.addi %mul3A_199, %add3A_200 : i32
        %mul3A_202 = arith.constant 16 : i32
        %mul3A_203 = arith.muli %add3A_201, %mul3A_202 : i32
        %add3A_204 = arith.constant 1024 : i32
        %add3A_205 = arith.addi %add3A_204, %mul3A_203 : i32
        %get3A = arith.index_cast %add3A_205 : i32 to index
        %get3A_206 = tpu.vector_load %arg5[%get3A] {strides = array<i32>} : memref<2048xi32, #tpu.memory_space<vmem>>, vector<16xi32>,
        %add3A_207 = arith.constant 0 : i32
        %add3A_208 = vector.broadcast %add3A_207 : i32 to vector<16xi32>
        %add3A_209 = arith.addi %add3A_208, %iota3A_93 : vector<16xi32>
        tpu.vector_store_idx %arg7[%get3A_206, %add3A_197, %add3A_209], %broadcast_in_dim3A_3 : memref<26x16x128xf32, #tpu.memory_space<vmem>>[vector<16xi32>, vector<16xi32>, vector<16xi32>], vector<16xf32>,
        %mul3A_210 = arith.constant 8 : i32
        %mul3A_211 = arith.muli %scan3A_192, %mul3A_210 : i32
        %add3A_212 = arith.constant 1 : i32
        %add3A_213 = arith.addi %mul3A_211, %add3A_212 : i32
        %mul3A_214 = arith.constant 16 : i32
        %mul3A_215 = arith.muli %add3A_213, %mul3A_214 : i32
        %add3A_216 = arith.constant 1024 : i32
        %add3A_217 = arith.addi %add3A_216, %mul3A_215 : i32
        %get3A_218 = arith.index_cast %add3A_217 : i32 to index
        %get3A_219 = tpu.vector_load %arg5[%get3A_218] {strides = array<i32>} : memref<2048xi32, #tpu.memory_space<vmem>>, vector<16xi32>,
        %add3A_220 = arith.constant 16 : i32
        %add3A_221 = vector.broadcast %add3A_220 : i32 to vector<16xi32>
        %add3A_222 = arith.addi %add3A_221, %iota3A_93 : vector<16xi32>
        tpu.vector_store_idx %arg7[%get3A_219, %add3A_197, %add3A_222], %broadcast_in_dim3A_3 : memref<26x16x128xf32, #tpu.memory_space<vmem>>[vector<16xi32>, vector<16xi32>, vector<16xi32>], vector<16xf32>,
        %mul3A_223 = arith.constant 8 : i32
        %mul3A_224 = arith.muli %scan3A_192, %mul3A_223 : i32
        %add3A_225 = arith.constant 2 : i32
        %add3A_226 = arith.addi %mul3A_224, %add3A_225 : i32
        %mul3A_227 = arith.constant 16 : i32
        %mul3A_228 = arith.muli %add3A_226, %mul3A_227 : i32
        %add3A_229 = arith.constant 1024 : i32
        %add3A_230 = arith.addi %add3A_229, %mul3A_228 : i32
        %get3A_231 = arith.index_cast %add3A_230 : i32 to index
        %get3A_232 = tpu.vector_load %arg5[%get3A_231] {strides = array<i32>} : memref<2048xi32, #tpu.memory_space<vmem>>, vector<16xi32>,
        %add3A_233 = arith.constant 32 : i32
        %add3A_234 = vector.broadcast %add3A_233 : i32 to vector<16xi32>
        %add3A_235 = arith.addi %add3A_234, %iota3A_93 : vector<16xi32>
        tpu.vector_store_idx %arg7[%get3A_232, %add3A_197, %add3A_235], %broadcast_in_dim3A_3 : memref<26x16x128xf32, #tpu.memory_space<vmem>>[vector<16xi32>, vector<16xi32>, vector<16xi32>], vector<16xf32>,
        %mul3A_236 = arith.constant 8 : i32
        %mul3A_237 = arith.muli %scan3A_192, %mul3A_236 : i32
        %add3A_238 = arith.constant 3 : i32
        %add3A_239 = arith.addi %mul3A_237, %add3A_238 : i32
        %mul3A_240 = arith.constant 16 : i32
        %mul3A_241 = arith.muli %add3A_239, %mul3A_240 : i32
        %add3A_242 = arith.constant 1024 : i32
        %add3A_243 = arith.addi %add3A_242, %mul3A_241 : i32
        %get3A_244 = arith.index_cast %add3A_243 : i32 to index
        %get3A_245 = tpu.vector_load %arg5[%get3A_244] {strides = array<i32>} : memref<2048xi32, #tpu.memory_space<vmem>>, vector<16xi32>,
        %add3A_246 = arith.constant 48 : i32
        %add3A_247 = vector.broadcast %add3A_246 : i32 to vector<16xi32>
        %add3A_248 = arith.addi %add3A_247, %iota3A_93 : vector<16xi32>
        tpu.vector_store_idx %arg7[%get3A_245, %add3A_197, %add3A_248], %broadcast_in_dim3A_3 : memref<26x16x128xf32, #tpu.memory_space<vmem>>[vector<16xi32>, vector<16xi32>, vector<16xi32>], vector<16xf32>,
        %mul3A_249 = arith.constant 8 : i32
        %mul3A_250 = arith.muli %scan3A_192, %mul3A_249 : i32
        %add3A_251 = arith.constant 4 : i32
        %add3A_252 = arith.addi %mul3A_250, %add3A_251 : i32
        %mul3A_253 = arith.constant 16 : i32
        %mul3A_254 = arith.muli %add3A_252, %mul3A_253 : i32
        %add3A_255 = arith.constant 1024 : i32
        %add3A_256 = arith.addi %add3A_255, %mul3A_254 : i32
        %get3A_257 = arith.index_cast %add3A_256 : i32 to index
        %get3A_258 = tpu.vector_load %arg5[%get3A_257] {strides = array<i32>} : memref<2048xi32, #tpu.memory_space<vmem>>, vector<16xi32>,
        %add3A_259 = arith.constant 64 : i32
        %add3A_260 = vector.broadcast %add3A_259 : i32 to vector<16xi32>
        %add3A_261 = arith.addi %add3A_260, %iota3A_93 : vector<16xi32>
        tpu.vector_store_idx %arg7[%get3A_258, %add3A_197, %add3A_261], %broadcast_in_dim3A_3 : memref<26x16x128xf32, #tpu.memory_space<vmem>>[vector<16xi32>, vector<16xi32>, vector<16xi32>], vector<16xf32>,
        %mul3A_262 = arith.constant 8 : i32
        %mul3A_263 = arith.muli %scan3A_192, %mul3A_262 : i32
        %add3A_264 = arith.constant 5 : i32
        %add3A_265 = arith.addi %mul3A_263, %add3A_264 : i32
        %mul3A_266 = arith.constant 16 : i32
        %mul3A_267 = arith.muli %add3A_265, %mul3A_266 : i32
        %add3A_268 = arith.constant 1024 : i32
        %add3A_269 = arith.addi %add3A_268, %mul3A_267 : i32
        %get3A_270 = arith.index_cast %add3A_269 : i32 to index
        %get3A_271 = tpu.vector_load %arg5[%get3A_270] {strides = array<i32>} : memref<2048xi32, #tpu.memory_space<vmem>>, vector<16xi32>,
        %add3A_272 = arith.constant 80 : i32
        %add3A_273 = vector.broadcast %add3A_272 : i32 to vector<16xi32>
        %add3A_274 = arith.addi %add3A_273, %iota3A_93 : vector<16xi32>
        tpu.vector_store_idx %arg7[%get3A_271, %add3A_197, %add3A_274], %broadcast_in_dim3A_3 : memref<26x16x128xf32, #tpu.memory_space<vmem>>[vector<16xi32>, vector<16xi32>, vector<16xi32>], vector<16xf32>,
        %mul3A_275 = arith.constant 8 : i32
        %mul3A_276 = arith.muli %scan3A_192, %mul3A_275 : i32
        %add3A_277 = arith.constant 6 : i32
        %add3A_278 = arith.addi %mul3A_276, %add3A_277 : i32
        %mul3A_279 = arith.constant 16 : i32
        %mul3A_280 = arith.muli %add3A_278, %mul3A_279 : i32
        %add3A_281 = arith.constant 1024 : i32
        %add3A_282 = arith.addi %add3A_281, %mul3A_280 : i32
        %get3A_283 = arith.index_cast %add3A_282 : i32 to index
        %get3A_284 = tpu.vector_load %arg5[%get3A_283] {strides = array<i32>} : memref<2048xi32, #tpu.memory_space<vmem>>, vector<16xi32>,
        %add3A_285 = arith.constant 96 : i32
        %add3A_286 = vector.broadcast %add3A_285 : i32 to vector<16xi32>
        %add3A_287 = arith.addi %add3A_286, %iota3A_93 : vector<16xi32>
        tpu.vector_store_idx %arg7[%get3A_284, %add3A_197, %add3A_287], %broadcast_in_dim3A_3 : memref<26x16x128xf32, #tpu.memory_space<vmem>>[vector<16xi32>, vector<16xi32>, vector<16xi32>], vector<16xf32>,
        %mul3A_288 = arith.constant 8 : i32
        %mul3A_289 = arith.muli %scan3A_192, %mul3A_288 : i32
        %add3A_290 = arith.constant 7 : i32
        %add3A_291 = arith.addi %mul3A_289, %add3A_290 : i32
        %mul3A_292 = arith.constant 16 : i32
        %mul3A_293 = arith.muli %add3A_291, %mul3A_292 : i32
        %add3A_294 = arith.constant 1024 : i32
        %add3A_295 = arith.addi %add3A_294, %mul3A_293 : i32
        %get3A_296 = arith.index_cast %add3A_295 : i32 to index
        %get3A_297 = tpu.vector_load %arg5[%get3A_296] {strides = array<i32>} : memref<2048xi32, #tpu.memory_space<vmem>>, vector<16xi32>,
        %add3A_298 = arith.constant 112 : i32
        %add3A_299 = vector.broadcast %add3A_298 : i32 to vector<16xi32>
        %add3A_300 = arith.addi %add3A_299, %iota3A_93 : vector<16xi32>
        tpu.vector_store_idx %arg7[%get3A_297, %add3A_197, %add3A_300], %broadcast_in_dim3A_3 : memref<26x16x128xf32, #tpu.memory_space<vmem>>[vector<16xi32>, vector<16xi32>, vector<16xi32>], vector<16xf32>,
        %scan3A_301 = arith.constant 0 : i32
        scf.yield %scan3A_301 : i32
      }
      %scan3A_107 = arith.constant 8 : i32
      %mul3A_108 = arith.constant 2 : i32
      %mul3A_109 = arith.muli %add3A_84, %mul3A_108 : i32
      %add3A_110 = arith.addi %mul3A_2, %mul3A_109 : i32
      %mul3A_111 = arith.constant 1024 : i32
      %mul3A_112 = arith.muli %add3A_110, %mul3A_111 : i32
      "tpu.region"() ({
        %run_scoped3A = tpu.sem_alloc : memref<!tpu.dma_semaphore, #tpu.memory_space<semaphore_mem>>
        %dma_start3A_192 = tpu.memref_slice %arg2[%mul3A_112] : memref<3276800xi32, #tpu.memory_space<hbm>> -> memref<2048xi32, #tpu.memory_space<hbm>>
        %dma_start3A_193 = tpu.memref_slice %arg2[%mul3A_112] : memref<3276800xi32, #tpu.memory_space<hbm>> -> memref<2048xi32, #tpu.memory_space<hbm>>
        tpu.enqueue_dma source(%dma_start3A_193 : memref<2048xi32, #tpu.memory_space<hbm>>) target(%arg5 : memref<2048xi32, #tpu.memory_space<vmem>>) target_semaphore(%run_scoped3A : memref<!tpu.dma_semaphore, #tpu.memory_space<semaphore_mem>>)
        %dma_wait3A_194 = tpu.memref_slice %arg2[%mul3A_112] : memref<3276800xi32, #tpu.memory_space<hbm>> -> memref<2048xi32, #tpu.memory_space<hbm>>
        %dma_wait3A_195 = tpu.memref_slice %arg2[%mul3A_112] : memref<3276800xi32, #tpu.memory_space<hbm>> -> memref<2048xi32, #tpu.memory_space<hbm>>
        tpu.wait_dma2 semaphore(%run_scoped3A : memref<!tpu.dma_semaphore, #tpu.memory_space<semaphore_mem>>) src(%dma_wait3A_195 : memref<2048xi32, #tpu.memory_space<hbm>>) dst(%arg5 : memref<2048xi32, #tpu.memory_space<vmem>>)
        tpu.yield
      }) : () -> ()
      %iota3A_113 = tpu.iota {dimensions = array<i32: 0>} : vector<16xi32>
      %scan3A_114 = arith.constant 0 : i32
      %scan3A_115 = arith.constant 0 : i32
      %scan3A_116 = arith.constant 8 : i32
      %scan3A_117 = arith.addi %scan3A_115, %scan3A_116 : i32
      %scan3A_118 = arith.constant 1 : i32
      %scan3A_119 = scf.for %scan3A_192 = %scan3A_115 to %scan3A_117 step %scan3A_118 iter_args(%scan3A_193 = %scan3A_114) -> (i32)  : i32 {
        %broadcast_in_dim3A_194 = arith.constant 0 : i32
        %broadcast_in_dim3A_195 = vector.broadcast %broadcast_in_dim3A_194 : i32 to vector<16xi32>
        %add3A_196 = vector.broadcast %scan3A_192 : i32 to vector<16xi32>
        %add3A_197 = arith.addi %broadcast_in_dim3A_195, %add3A_196 : vector<16xi32>
        %mul3A_198 = arith.constant 8 : i32
        %mul3A_199 = arith.muli %scan3A_192, %mul3A_198 : i32
        %add3A_200 = arith.constant 0 : i32
        %add3A_201 = arith.addi %mul3A_199, %add3A_200 : i32
        %mul3A_202 = arith.constant 16 : i32
        %mul3A_203 = arith.muli %add3A_201, %mul3A_202 : i32
        %add3A_204 = arith.constant 0 : i32
        %add3A_205 = arith.addi %add3A_204, %mul3A_203 : i32
        %get3A = arith.index_cast %add3A_205 : i32 to index
        %get3A_206 = tpu.vector_load %arg5[%get3A] {strides = array<i32>} : memref<2048xi32, #tpu.memory_space<vmem>>, vector<16xi32>,
        %add3A_207 = arith.constant 0 : i32
        %add3A_208 = vector.broadcast %add3A_207 : i32 to vector<16xi32>
        %add3A_209 = arith.addi %add3A_208, %iota3A_113 : vector<16xi32>
        tpu.vector_store_idx %arg7[%get3A_206, %add3A_197, %add3A_209], %broadcast_in_dim3A_5 : memref<26x16x128xf32, #tpu.memory_space<vmem>>[vector<16xi32>, vector<16xi32>, vector<16xi32>], vector<16xf32>,
        %mul3A_210 = arith.constant 8 : i32
        %mul3A_211 = arith.muli %scan3A_192, %mul3A_210 : i32
        %add3A_212 = arith.constant 1 : i32
        %add3A_213 = arith.addi %mul3A_211, %add3A_212 : i32
        %mul3A_214 = arith.constant 16 : i32
        %mul3A_215 = arith.muli %add3A_213, %mul3A_214 : i32
        %add3A_216 = arith.constant 0 : i32
        %add3A_217 = arith.addi %add3A_216, %mul3A_215 : i32
        %get3A_218 = arith.index_cast %add3A_217 : i32 to index
        %get3A_219 = tpu.vector_load %arg5[%get3A_218] {strides = array<i32>} : memref<2048xi32, #tpu.memory_space<vmem>>, vector<16xi32>,
        %add3A_220 = arith.constant 16 : i32
        %add3A_221 = vector.broadcast %add3A_220 : i32 to vector<16xi32>
        %add3A_222 = arith.addi %add3A_221, %iota3A_113 : vector<16xi32>
        tpu.vector_store_idx %arg7[%get3A_219, %add3A_197, %add3A_222], %broadcast_in_dim3A_5 : memref<26x16x128xf32, #tpu.memory_space<vmem>>[vector<16xi32>, vector<16xi32>, vector<16xi32>], vector<16xf32>,
        %mul3A_223 = arith.constant 8 : i32
        %mul3A_224 = arith.muli %scan3A_192, %mul3A_223 : i32
        %add3A_225 = arith.constant 2 : i32
        %add3A_226 = arith.addi %mul3A_224, %add3A_225 : i32
        %mul3A_227 = arith.constant 16 : i32
        %mul3A_228 = arith.muli %add3A_226, %mul3A_227 : i32
        %add3A_229 = arith.constant 0 : i32
        %add3A_230 = arith.addi %add3A_229, %mul3A_228 : i32
        %get3A_231 = arith.index_cast %add3A_230 : i32 to index
        %get3A_232 = tpu.vector_load %arg5[%get3A_231] {strides = array<i32>} : memref<2048xi32, #tpu.memory_space<vmem>>, vector<16xi32>,
        %add3A_233 = arith.constant 32 : i32
        %add3A_234 = vector.broadcast %add3A_233 : i32 to vector<16xi32>
        %add3A_235 = arith.addi %add3A_234, %iota3A_113 : vector<16xi32>
        tpu.vector_store_idx %arg7[%get3A_232, %add3A_197, %add3A_235], %broadcast_in_dim3A_5 : memref<26x16x128xf32, #tpu.memory_space<vmem>>[vector<16xi32>, vector<16xi32>, vector<16xi32>], vector<16xf32>,
        %mul3A_236 = arith.constant 8 : i32
        %mul3A_237 = arith.muli %scan3A_192, %mul3A_236 : i32
        %add3A_238 = arith.constant 3 : i32
        %add3A_239 = arith.addi %mul3A_237, %add3A_238 : i32
        %mul3A_240 = arith.constant 16 : i32
        %mul3A_241 = arith.muli %add3A_239, %mul3A_240 : i32
        %add3A_242 = arith.constant 0 : i32
        %add3A_243 = arith.addi %add3A_242, %mul3A_241 : i32
        %get3A_244 = arith.index_cast %add3A_243 : i32 to index
        %get3A_245 = tpu.vector_load %arg5[%get3A_244] {strides = array<i32>} : memref<2048xi32, #tpu.memory_space<vmem>>, vector<16xi32>,
        %add3A_246 = arith.constant 48 : i32
        %add3A_247 = vector.broadcast %add3A_246 : i32 to vector<16xi32>
        %add3A_248 = arith.addi %add3A_247, %iota3A_113 : vector<16xi32>
        tpu.vector_store_idx %arg7[%get3A_245, %add3A_197, %add3A_248], %broadcast_in_dim3A_5 : memref<26x16x128xf32, #tpu.memory_space<vmem>>[vector<16xi32>, vector<16xi32>, vector<16xi32>], vector<16xf32>,
        %mul3A_249 = arith.constant 8 : i32
        %mul3A_250 = arith.muli %scan3A_192, %mul3A_249 : i32
        %add3A_251 = arith.constant 4 : i32
        %add3A_252 = arith.addi %mul3A_250, %add3A_251 : i32
        %mul3A_253 = arith.constant 16 : i32
        %mul3A_254 = arith.muli %add3A_252, %mul3A_253 : i32
        %add3A_255 = arith.constant 0 : i32
        %add3A_256 = arith.addi %add3A_255, %mul3A_254 : i32
        %get3A_257 = arith.index_cast %add3A_256 : i32 to index
        %get3A_258 = tpu.vector_load %arg5[%get3A_257] {strides = array<i32>} : memref<2048xi32, #tpu.memory_space<vmem>>, vector<16xi32>,
        %add3A_259 = arith.constant 64 : i32
        %add3A_260 = vector.broadcast %add3A_259 : i32 to vector<16xi32>
        %add3A_261 = arith.addi %add3A_260, %iota3A_113 : vector<16xi32>
        tpu.vector_store_idx %arg7[%get3A_258, %add3A_197, %add3A_261], %broadcast_in_dim3A_5 : memref<26x16x128xf32, #tpu.memory_space<vmem>>[vector<16xi32>, vector<16xi32>, vector<16xi32>], vector<16xf32>,
        %mul3A_262 = arith.constant 8 : i32
        %mul3A_263 = arith.muli %scan3A_192, %mul3A_262 : i32
        %add3A_264 = arith.constant 5 : i32
        %add3A_265 = arith.addi %mul3A_263, %add3A_264 : i32
        %mul3A_266 = arith.constant 16 : i32
        %mul3A_267 = arith.muli %add3A_265, %mul3A_266 : i32
        %add3A_268 = arith.constant 0 : i32
        %add3A_269 = arith.addi %add3A_268, %mul3A_267 : i32
        %get3A_270 = arith.index_cast %add3A_269 : i32 to index
        %get3A_271 = tpu.vector_load %arg5[%get3A_270] {strides = array<i32>} : memref<2048xi32, #tpu.memory_space<vmem>>, vector<16xi32>,
        %add3A_272 = arith.constant 80 : i32
        %add3A_273 = vector.broadcast %add3A_272 : i32 to vector<16xi32>
        %add3A_274 = arith.addi %add3A_273, %iota3A_113 : vector<16xi32>
        tpu.vector_store_idx %arg7[%get3A_271, %add3A_197, %add3A_274], %broadcast_in_dim3A_5 : memref<26x16x128xf32, #tpu.memory_space<vmem>>[vector<16xi32>, vector<16xi32>, vector<16xi32>], vector<16xf32>,
        %mul3A_275 = arith.constant 8 : i32
        %mul3A_276 = arith.muli %scan3A_192, %mul3A_275 : i32
        %add3A_277 = arith.constant 6 : i32
        %add3A_278 = arith.addi %mul3A_276, %add3A_277 : i32
        %mul3A_279 = arith.constant 16 : i32
        %mul3A_280 = arith.muli %add3A_278, %mul3A_279 : i32
        %add3A_281 = arith.constant 0 : i32
        %add3A_282 = arith.addi %add3A_281, %mul3A_280 : i32
        %get3A_283 = arith.index_cast %add3A_282 : i32 to index
        %get3A_284 = tpu.vector_load %arg5[%get3A_283] {strides = array<i32>} : memref<2048xi32, #tpu.memory_space<vmem>>, vector<16xi32>,
        %add3A_285 = arith.constant 96 : i32
        %add3A_286 = vector.broadcast %add3A_285 : i32 to vector<16xi32>
        %add3A_287 = arith.addi %add3A_286, %iota3A_113 : vector<16xi32>
        tpu.vector_store_idx %arg7[%get3A_284, %add3A_197, %add3A_287], %broadcast_in_dim3A_5 : memref<26x16x128xf32, #tpu.memory_space<vmem>>[vector<16xi32>, vector<16xi32>, vector<16xi32>], vector<16xf32>,
        %mul3A_288 = arith.constant 8 : i32
        %mul3A_289 = arith.muli %scan3A_192, %mul3A_288 : i32
        %add3A_290 = arith.constant 7 : i32
        %add3A_291 = arith.addi %mul3A_289, %add3A_290 : i32
        %mul3A_292 = arith.constant 16 : i32
        %mul3A_293 = arith.muli %add3A_291, %mul3A_292 : i32
        %add3A_294 = arith.constant 0 : i32
        %add3A_295 = arith.addi %add3A_294, %mul3A_293 : i32
        %get3A_296 = arith.index_cast %add3A_295 : i32 to index
        %get3A_297 = tpu.vector_load %arg5[%get3A_296] {strides = array<i32>} : memref<2048xi32, #tpu.memory_space<vmem>>, vector<16xi32>,
        %add3A_298 = arith.constant 112 : i32
        %add3A_299 = vector.broadcast %add3A_298 : i32 to vector<16xi32>
        %add3A_300 = arith.addi %add3A_299, %iota3A_113 : vector<16xi32>
        tpu.vector_store_idx %arg7[%get3A_297, %add3A_197, %add3A_300], %broadcast_in_dim3A_5 : memref<26x16x128xf32, #tpu.memory_space<vmem>>[vector<16xi32>, vector<16xi32>, vector<16xi32>], vector<16xf32>,
        %scan3A_301 = arith.constant 0 : i32
        scf.yield %scan3A_301 : i32
      }
      %scan3A_120 = arith.constant 8 : i32
      %scan3A_121 = arith.constant 0 : i32
      %scan3A_122 = arith.constant 0 : i32
      %scan3A_123 = arith.constant 8 : i32
      %scan3A_124 = arith.addi %scan3A_122, %scan3A_123 : i32
      %scan3A_125 = arith.constant 1 : i32
      %scan3A_126 = scf.for %scan3A_192 = %scan3A_122 to %scan3A_124 step %scan3A_125 iter_args(%scan3A_193 = %scan3A_121) -> (i32)  : i32 {
        %broadcast_in_dim3A_194 = arith.constant 8 : i32
        %broadcast_in_dim3A_195 = vector.broadcast %broadcast_in_dim3A_194 : i32 to vector<16xi32>
        %add3A_196 = vector.broadcast %scan3A_192 : i32 to vector<16xi32>
        %add3A_197 = arith.addi %broadcast_in_dim3A_195, %add3A_196 : vector<16xi32>
        %mul3A_198 = arith.constant 8 : i32
        %mul3A_199 = arith.muli %scan3A_192, %mul3A_198 : i32
        %add3A_200 = arith.constant 0 : i32
        %add3A_201 = arith.addi %mul3A_199, %add3A_200 : i32
        %mul3A_202 = arith.constant 16 : i32
        %mul3A_203 = arith.muli %add3A_201, %mul3A_202 : i32
        %add3A_204 = arith.constant 1024 : i32
        %add3A_205 = arith.addi %add3A_204, %mul3A_203 : i32
        %get3A = arith.index_cast %add3A_205 : i32 to index
        %get3A_206 = tpu.vector_load %arg5[%get3A] {strides = array<i32>} : memref<2048xi32, #tpu.memory_space<vmem>>, vector<16xi32>,
        %add3A_207 = arith.constant 0 : i32
        %add3A_208 = vector.broadcast %add3A_207 : i32 to vector<16xi32>
        %add3A_209 = arith.addi %add3A_208, %iota3A_113 : vector<16xi32>
        tpu.vector_store_idx %arg7[%get3A_206, %add3A_197, %add3A_209], %broadcast_in_dim3A_5 : memref<26x16x128xf32, #tpu.memory_space<vmem>>[vector<16xi32>, vector<16xi32>, vector<16xi32>], vector<16xf32>,
        %mul3A_210 = arith.constant 8 : i32
        %mul3A_211 = arith.muli %scan3A_192, %mul3A_210 : i32
        %add3A_212 = arith.constant 1 : i32
        %add3A_213 = arith.addi %mul3A_211, %add3A_212 : i32
        %mul3A_214 = arith.constant 16 : i32
        %mul3A_215 = arith.muli %add3A_213, %mul3A_214 : i32
        %add3A_216 = arith.constant 1024 : i32
        %add3A_217 = arith.addi %add3A_216, %mul3A_215 : i32
        %get3A_218 = arith.index_cast %add3A_217 : i32 to index
        %get3A_219 = tpu.vector_load %arg5[%get3A_218] {strides = array<i32>} : memref<2048xi32, #tpu.memory_space<vmem>>, vector<16xi32>,
        %add3A_220 = arith.constant 16 : i32
        %add3A_221 = vector.broadcast %add3A_220 : i32 to vector<16xi32>
        %add3A_222 = arith.addi %add3A_221, %iota3A_113 : vector<16xi32>
        tpu.vector_store_idx %arg7[%get3A_219, %add3A_197, %add3A_222], %broadcast_in_dim3A_5 : memref<26x16x128xf32, #tpu.memory_space<vmem>>[vector<16xi32>, vector<16xi32>, vector<16xi32>], vector<16xf32>,
        %mul3A_223 = arith.constant 8 : i32
        %mul3A_224 = arith.muli %scan3A_192, %mul3A_223 : i32
        %add3A_225 = arith.constant 2 : i32
        %add3A_226 = arith.addi %mul3A_224, %add3A_225 : i32
        %mul3A_227 = arith.constant 16 : i32
        %mul3A_228 = arith.muli %add3A_226, %mul3A_227 : i32
        %add3A_229 = arith.constant 1024 : i32
        %add3A_230 = arith.addi %add3A_229, %mul3A_228 : i32
        %get3A_231 = arith.index_cast %add3A_230 : i32 to index
        %get3A_232 = tpu.vector_load %arg5[%get3A_231] {strides = array<i32>} : memref<2048xi32, #tpu.memory_space<vmem>>, vector<16xi32>,
        %add3A_233 = arith.constant 32 : i32
        %add3A_234 = vector.broadcast %add3A_233 : i32 to vector<16xi32>
        %add3A_235 = arith.addi %add3A_234, %iota3A_113 : vector<16xi32>
        tpu.vector_store_idx %arg7[%get3A_232, %add3A_197, %add3A_235], %broadcast_in_dim3A_5 : memref<26x16x128xf32, #tpu.memory_space<vmem>>[vector<16xi32>, vector<16xi32>, vector<16xi32>], vector<16xf32>,
        %mul3A_236 = arith.constant 8 : i32
        %mul3A_237 = arith.muli %scan3A_192, %mul3A_236 : i32
        %add3A_238 = arith.constant 3 : i32
        %add3A_239 = arith.addi %mul3A_237, %add3A_238 : i32
        %mul3A_240 = arith.constant 16 : i32
        %mul3A_241 = arith.muli %add3A_239, %mul3A_240 : i32
        %add3A_242 = arith.constant 1024 : i32
        %add3A_243 = arith.addi %add3A_242, %mul3A_241 : i32
        %get3A_244 = arith.index_cast %add3A_243 : i32 to index
        %get3A_245 = tpu.vector_load %arg5[%get3A_244] {strides = array<i32>} : memref<2048xi32, #tpu.memory_space<vmem>>, vector<16xi32>,
        %add3A_246 = arith.constant 48 : i32
        %add3A_247 = vector.broadcast %add3A_246 : i32 to vector<16xi32>
        %add3A_248 = arith.addi %add3A_247, %iota3A_113 : vector<16xi32>
        tpu.vector_store_idx %arg7[%get3A_245, %add3A_197, %add3A_248], %broadcast_in_dim3A_5 : memref<26x16x128xf32, #tpu.memory_space<vmem>>[vector<16xi32>, vector<16xi32>, vector<16xi32>], vector<16xf32>,
        %mul3A_249 = arith.constant 8 : i32
        %mul3A_250 = arith.muli %scan3A_192, %mul3A_249 : i32
        %add3A_251 = arith.constant 4 : i32
        %add3A_252 = arith.addi %mul3A_250, %add3A_251 : i32
        %mul3A_253 = arith.constant 16 : i32
        %mul3A_254 = arith.muli %add3A_252, %mul3A_253 : i32
        %add3A_255 = arith.constant 1024 : i32
        %add3A_256 = arith.addi %add3A_255, %mul3A_254 : i32
        %get3A_257 = arith.index_cast %add3A_256 : i32 to index
        %get3A_258 = tpu.vector_load %arg5[%get3A_257] {strides = array<i32>} : memref<2048xi32, #tpu.memory_space<vmem>>, vector<16xi32>,
        %add3A_259 = arith.constant 64 : i32
        %add3A_260 = vector.broadcast %add3A_259 : i32 to vector<16xi32>
        %add3A_261 = arith.addi %add3A_260, %iota3A_113 : vector<16xi32>
        tpu.vector_store_idx %arg7[%get3A_258, %add3A_197, %add3A_261], %broadcast_in_dim3A_5 : memref<26x16x128xf32, #tpu.memory_space<vmem>>[vector<16xi32>, vector<16xi32>, vector<16xi32>], vector<16xf32>,
        %mul3A_262 = arith.constant 8 : i32
        %mul3A_263 = arith.muli %scan3A_192, %mul3A_262 : i32
        %add3A_264 = arith.constant 5 : i32
        %add3A_265 = arith.addi %mul3A_263, %add3A_264 : i32
        %mul3A_266 = arith.constant 16 : i32
        %mul3A_267 = arith.muli %add3A_265, %mul3A_266 : i32
        %add3A_268 = arith.constant 1024 : i32
        %add3A_269 = arith.addi %add3A_268, %mul3A_267 : i32
        %get3A_270 = arith.index_cast %add3A_269 : i32 to index
        %get3A_271 = tpu.vector_load %arg5[%get3A_270] {strides = array<i32>} : memref<2048xi32, #tpu.memory_space<vmem>>, vector<16xi32>,
        %add3A_272 = arith.constant 80 : i32
        %add3A_273 = vector.broadcast %add3A_272 : i32 to vector<16xi32>
        %add3A_274 = arith.addi %add3A_273, %iota3A_113 : vector<16xi32>
        tpu.vector_store_idx %arg7[%get3A_271, %add3A_197, %add3A_274], %broadcast_in_dim3A_5 : memref<26x16x128xf32, #tpu.memory_space<vmem>>[vector<16xi32>, vector<16xi32>, vector<16xi32>], vector<16xf32>,
        %mul3A_275 = arith.constant 8 : i32
        %mul3A_276 = arith.muli %scan3A_192, %mul3A_275 : i32
        %add3A_277 = arith.constant 6 : i32
        %add3A_278 = arith.addi %mul3A_276, %add3A_277 : i32
        %mul3A_279 = arith.constant 16 : i32
        %mul3A_280 = arith.muli %add3A_278, %mul3A_279 : i32
        %add3A_281 = arith.constant 1024 : i32
        %add3A_282 = arith.addi %add3A_281, %mul3A_280 : i32
        %get3A_283 = arith.index_cast %add3A_282 : i32 to index
        %get3A_284 = tpu.vector_load %arg5[%get3A_283] {strides = array<i32>} : memref<2048xi32, #tpu.memory_space<vmem>>, vector<16xi32>,
        %add3A_285 = arith.constant 96 : i32
        %add3A_286 = vector.broadcast %add3A_285 : i32 to vector<16xi32>
        %add3A_287 = arith.addi %add3A_286, %iota3A_113 : vector<16xi32>
        tpu.vector_store_idx %arg7[%get3A_284, %add3A_197, %add3A_287], %broadcast_in_dim3A_5 : memref<26x16x128xf32, #tpu.memory_space<vmem>>[vector<16xi32>, vector<16xi32>, vector<16xi32>], vector<16xf32>,
        %mul3A_288 = arith.constant 8 : i32
        %mul3A_289 = arith.muli %scan3A_192, %mul3A_288 : i32
        %add3A_290 = arith.constant 7 : i32
        %add3A_291 = arith.addi %mul3A_289, %add3A_290 : i32
        %mul3A_292 = arith.constant 16 : i32
        %mul3A_293 = arith.muli %add3A_291, %mul3A_292 : i32
        %add3A_294 = arith.constant 1024 : i32
        %add3A_295 = arith.addi %add3A_294, %mul3A_293 : i32
        %get3A_296 = arith.index_cast %add3A_295 : i32 to index
        %get3A_297 = tpu.vector_load %arg5[%get3A_296] {strides = array<i32>} : memref<2048xi32, #tpu.memory_space<vmem>>, vector<16xi32>,
        %add3A_298 = arith.constant 112 : i32
        %add3A_299 = vector.broadcast %add3A_298 : i32 to vector<16xi32>
        %add3A_300 = arith.addi %add3A_299, %iota3A_113 : vector<16xi32>
        tpu.vector_store_idx %arg7[%get3A_297, %add3A_197, %add3A_300], %broadcast_in_dim3A_5 : memref<26x16x128xf32, #tpu.memory_space<vmem>>[vector<16xi32>, vector<16xi32>, vector<16xi32>], vector<16xf32>,
        %scan3A_301 = arith.constant 0 : i32
        scf.yield %scan3A_301 : i32
      }
      %scan3A_127 = arith.constant 8 : i32
      %mul3A_128 = arith.constant 8 : i32
      %mul3A_129 = arith.muli %add3A_110, %mul3A_128 : i32
      %dma_start3A_130 = arith.constant 0 : i32
      %dma_start3A_131 = arith.constant 0 : i32
      %dma_start3A_132 = tpu.memref_slice %arg4[%dma_start3A_130, %mul3A_129, %dma_start3A_131] : memref<26x25600x128xf32, #tpu.memory_space<hbm>> -> memref<26x16x128xf32, #tpu.memory_space<hbm>>
      %dma_start3A_133 = arith.constant 0 : i32
      %dma_start3A_134 = arith.constant 0 : i32
      %dma_start3A_135 = tpu.memref_slice %arg4[%dma_start3A_133, %mul3A_129, %dma_start3A_134] : memref<26x25600x128xf32, #tpu.memory_space<hbm>> -> memref<26x16x128xf32, #tpu.memory_space<hbm>>
      tpu.enqueue_dma source(%arg7 : memref<26x16x128xf32, #tpu.memory_space<vmem>>) target(%dma_start3A_135 : memref<26x16x128xf32, #tpu.memory_space<hbm>>) target_semaphore(%arg9 : memref<!tpu.dma_semaphore, #tpu.memory_space<semaphore_mem>>)
      %mul3A_136 = arith.constant 2 : i32
      %mul3A_137 = arith.muli %scan3A_79, %mul3A_136 : i32
      %add3A_138 = arith.constant 1 : i32
      %add3A_139 = arith.addi %mul3A_137, %add3A_138 : i32
      %dma_wait3A_140 = arith.constant 0 : i32
      %dma_wait3A_141 = arith.constant 0 : i32
      %dma_wait3A_142 = arith.constant 0 : i32
      %dma_wait3A_143 = tpu.memref_slice %arg4[%dma_wait3A_140, %dma_wait3A_141, %dma_wait3A_142] : memref<26x25600x128xf32, #tpu.memory_space<hbm>> -> memref<26x16x128xf32, #tpu.memory_space<hbm>>
      %dma_wait3A_144 = arith.constant 0 : i32
      %dma_wait3A_145 = arith.constant 0 : i32
      %dma_wait3A_146 = arith.constant 0 : i32
      %dma_wait3A_147 = tpu.memref_slice %arg4[%dma_wait3A_144, %dma_wait3A_145, %dma_wait3A_146] : memref<26x25600x128xf32, #tpu.memory_space<hbm>> -> memref<26x16x128xf32, #tpu.memory_space<hbm>>
      tpu.wait_dma2 semaphore(%arg10 : memref<!tpu.dma_semaphore, #tpu.memory_space<semaphore_mem>>) src(%arg8 : memref<26x16x128xf32, #tpu.memory_space<vmem>>) dst(%dma_wait3A_147 : memref<26x16x128xf32, #tpu.memory_space<hbm>>)
      %iota3A_148 = tpu.iota {dimensions = array<i32: 0>} : vector<16xi32>
      %scan3A_149 = arith.constant 0 : i32
      %scan3A_150 = arith.constant 0 : i32
      %scan3A_151 = arith.constant 8 : i32
      %scan3A_152 = arith.addi %scan3A_150, %scan3A_151 : i32
      %scan3A_153 = arith.constant 1 : i32
      %scan3A_154 = scf.for %scan3A_192 = %scan3A_150 to %scan3A_152 step %scan3A_153 iter_args(%scan3A_193 = %scan3A_149) -> (i32)  : i32 {
        %broadcast_in_dim3A_194 = arith.constant 0 : i32
        %broadcast_in_dim3A_195 = vector.broadcast %broadcast_in_dim3A_194 : i32 to vector<16xi32>
        %add3A_196 = vector.broadcast %scan3A_192 : i32 to vector<16xi32>
        %add3A_197 = arith.addi %broadcast_in_dim3A_195, %add3A_196 : vector<16xi32>
        %mul3A_198 = arith.constant 8 : i32
        %mul3A_199 = arith.muli %scan3A_192, %mul3A_198 : i32
        %add3A_200 = arith.constant 0 : i32
        %add3A_201 = arith.addi %mul3A_199, %add3A_200 : i32
        %mul3A_202 = arith.constant 16 : i32
        %mul3A_203 = arith.muli %add3A_201, %mul3A_202 : i32
        %add3A_204 = arith.constant 0 : i32
        %add3A_205 = arith.addi %add3A_204, %mul3A_203 : i32
        %get3A = arith.index_cast %add3A_205 : i32 to index
        %get3A_206 = tpu.vector_load %arg6[%get3A] {strides = array<i32>} : memref<2048xi32, #tpu.memory_space<vmem>>, vector<16xi32>,
        %add3A_207 = arith.constant 0 : i32
        %add3A_208 = vector.broadcast %add3A_207 : i32 to vector<16xi32>
        %add3A_209 = arith.addi %add3A_208, %iota3A_148 : vector<16xi32>
        tpu.vector_store_idx %arg8[%get3A_206, %add3A_197, %add3A_209], %broadcast_in_dim3A_3 : memref<26x16x128xf32, #tpu.memory_space<vmem>>[vector<16xi32>, vector<16xi32>, vector<16xi32>], vector<16xf32>,
        %mul3A_210 = arith.constant 8 : i32
        %mul3A_211 = arith.muli %scan3A_192, %mul3A_210 : i32
        %add3A_212 = arith.constant 1 : i32
        %add3A_213 = arith.addi %mul3A_211, %add3A_212 : i32
        %mul3A_214 = arith.constant 16 : i32
        %mul3A_215 = arith.muli %add3A_213, %mul3A_214 : i32
        %add3A_216 = arith.constant 0 : i32
        %add3A_217 = arith.addi %add3A_216, %mul3A_215 : i32
        %get3A_218 = arith.index_cast %add3A_217 : i32 to index
        %get3A_219 = tpu.vector_load %arg6[%get3A_218] {strides = array<i32>} : memref<2048xi32, #tpu.memory_space<vmem>>, vector<16xi32>,
        %add3A_220 = arith.constant 16 : i32
        %add3A_221 = vector.broadcast %add3A_220 : i32 to vector<16xi32>
        %add3A_222 = arith.addi %add3A_221, %iota3A_148 : vector<16xi32>
        tpu.vector_store_idx %arg8[%get3A_219, %add3A_197, %add3A_222], %broadcast_in_dim3A_3 : memref<26x16x128xf32, #tpu.memory_space<vmem>>[vector<16xi32>, vector<16xi32>, vector<16xi32>], vector<16xf32>,
        %mul3A_223 = arith.constant 8 : i32
        %mul3A_224 = arith.muli %scan3A_192, %mul3A_223 : i32
        %add3A_225 = arith.constant 2 : i32
        %add3A_226 = arith.addi %mul3A_224, %add3A_225 : i32
        %mul3A_227 = arith.constant 16 : i32
        %mul3A_228 = arith.muli %add3A_226, %mul3A_227 : i32
        %add3A_229 = arith.constant 0 : i32
        %add3A_230 = arith.addi %add3A_229, %mul3A_228 : i32
        %get3A_231 = arith.index_cast %add3A_230 : i32 to index
        %get3A_232 = tpu.vector_load %arg6[%get3A_231] {strides = array<i32>} : memref<2048xi32, #tpu.memory_space<vmem>>, vector<16xi32>,
        %add3A_233 = arith.constant 32 : i32
        %add3A_234 = vector.broadcast %add3A_233 : i32 to vector<16xi32>
        %add3A_235 = arith.addi %add3A_234, %iota3A_148 : vector<16xi32>
        tpu.vector_store_idx %arg8[%get3A_232, %add3A_197, %add3A_235], %broadcast_in_dim3A_3 : memref<26x16x128xf32, #tpu.memory_space<vmem>>[vector<16xi32>, vector<16xi32>, vector<16xi32>], vector<16xf32>,
        %mul3A_236 = arith.constant 8 : i32
        %mul3A_237 = arith.muli %scan3A_192, %mul3A_236 : i32
        %add3A_238 = arith.constant 3 : i32
        %add3A_239 = arith.addi %mul3A_237, %add3A_238 : i32
        %mul3A_240 = arith.constant 16 : i32
        %mul3A_241 = arith.muli %add3A_239, %mul3A_240 : i32
        %add3A_242 = arith.constant 0 : i32
        %add3A_243 = arith.addi %add3A_242, %mul3A_241 : i32
        %get3A_244 = arith.index_cast %add3A_243 : i32 to index
        %get3A_245 = tpu.vector_load %arg6[%get3A_244] {strides = array<i32>} : memref<2048xi32, #tpu.memory_space<vmem>>, vector<16xi32>,
        %add3A_246 = arith.constant 48 : i32
        %add3A_247 = vector.broadcast %add3A_246 : i32 to vector<16xi32>
        %add3A_248 = arith.addi %add3A_247, %iota3A_148 : vector<16xi32>
        tpu.vector_store_idx %arg8[%get3A_245, %add3A_197, %add3A_248], %broadcast_in_dim3A_3 : memref<26x16x128xf32, #tpu.memory_space<vmem>>[vector<16xi32>, vector<16xi32>, vector<16xi32>], vector<16xf32>,
        %mul3A_249 = arith.constant 8 : i32
        %mul3A_250 = arith.muli %scan3A_192, %mul3A_249 : i32
        %add3A_251 = arith.constant 4 : i32
        %add3A_252 = arith.addi %mul3A_250, %add3A_251 : i32
        %mul3A_253 = arith.constant 16 : i32
        %mul3A_254 = arith.muli %add3A_252, %mul3A_253 : i32
        %add3A_255 = arith.constant 0 : i32
        %add3A_256 = arith.addi %add3A_255, %mul3A_254 : i32
        %get3A_257 = arith.index_cast %add3A_256 : i32 to index
        %get3A_258 = tpu.vector_load %arg6[%get3A_257] {strides = array<i32>} : memref<2048xi32, #tpu.memory_space<vmem>>, vector<16xi32>,
        %add3A_259 = arith.constant 64 : i32
        %add3A_260 = vector.broadcast %add3A_259 : i32 to vector<16xi32>
        %add3A_261 = arith.addi %add3A_260, %iota3A_148 : vector<16xi32>
        tpu.vector_store_idx %arg8[%get3A_258, %add3A_197, %add3A_261], %broadcast_in_dim3A_3 : memref<26x16x128xf32, #tpu.memory_space<vmem>>[vector<16xi32>, vector<16xi32>, vector<16xi32>], vector<16xf32>,
        %mul3A_262 = arith.constant 8 : i32
        %mul3A_263 = arith.muli %scan3A_192, %mul3A_262 : i32
        %add3A_264 = arith.constant 5 : i32
        %add3A_265 = arith.addi %mul3A_263, %add3A_264 : i32
        %mul3A_266 = arith.constant 16 : i32
        %mul3A_267 = arith.muli %add3A_265, %mul3A_266 : i32
        %add3A_268 = arith.constant 0 : i32
        %add3A_269 = arith.addi %add3A_268, %mul3A_267 : i32
        %get3A_270 = arith.index_cast %add3A_269 : i32 to index
        %get3A_271 = tpu.vector_load %arg6[%get3A_270] {strides = array<i32>} : memref<2048xi32, #tpu.memory_space<vmem>>, vector<16xi32>,
        %add3A_272 = arith.constant 80 : i32
        %add3A_273 = vector.broadcast %add3A_272 : i32 to vector<16xi32>
        %add3A_274 = arith.addi %add3A_273, %iota3A_148 : vector<16xi32>
        tpu.vector_store_idx %arg8[%get3A_271, %add3A_197, %add3A_274], %broadcast_in_dim3A_3 : memref<26x16x128xf32, #tpu.memory_space<vmem>>[vector<16xi32>, vector<16xi32>, vector<16xi32>], vector<16xf32>,
        %mul3A_275 = arith.constant 8 : i32
        %mul3A_276 = arith.muli %scan3A_192, %mul3A_275 : i32
        %add3A_277 = arith.constant 6 : i32
        %add3A_278 = arith.addi %mul3A_276, %add3A_277 : i32
        %mul3A_279 = arith.constant 16 : i32
        %mul3A_280 = arith.muli %add3A_278, %mul3A_279 : i32
        %add3A_281 = arith.constant 0 : i32
        %add3A_282 = arith.addi %add3A_281, %mul3A_280 : i32
        %get3A_283 = arith.index_cast %add3A_282 : i32 to index
        %get3A_284 = tpu.vector_load %arg6[%get3A_283] {strides = array<i32>} : memref<2048xi32, #tpu.memory_space<vmem>>, vector<16xi32>,
        %add3A_285 = arith.constant 96 : i32
        %add3A_286 = vector.broadcast %add3A_285 : i32 to vector<16xi32>
        %add3A_287 = arith.addi %add3A_286, %iota3A_148 : vector<16xi32>
        tpu.vector_store_idx %arg8[%get3A_284, %add3A_197, %add3A_287], %broadcast_in_dim3A_3 : memref<26x16x128xf32, #tpu.memory_space<vmem>>[vector<16xi32>, vector<16xi32>, vector<16xi32>], vector<16xf32>,
        %mul3A_288 = arith.constant 8 : i32
        %mul3A_289 = arith.muli %scan3A_192, %mul3A_288 : i32
        %add3A_290 = arith.constant 7 : i32
        %add3A_291 = arith.addi %mul3A_289, %add3A_290 : i32
        %mul3A_292 = arith.constant 16 : i32
        %mul3A_293 = arith.muli %add3A_291, %mul3A_292 : i32
        %add3A_294 = arith.constant 0 : i32
        %add3A_295 = arith.addi %add3A_294, %mul3A_293 : i32
        %get3A_296 = arith.index_cast %add3A_295 : i32 to index
        %get3A_297 = tpu.vector_load %arg6[%get3A_296] {strides = array<i32>} : memref<2048xi32, #tpu.memory_space<vmem>>, vector<16xi32>,
        %add3A_298 = arith.constant 112 : i32
        %add3A_299 = vector.broadcast %add3A_298 : i32 to vector<16xi32>
        %add3A_300 = arith.addi %add3A_299, %iota3A_148 : vector<16xi32>
        tpu.vector_store_idx %arg8[%get3A_297, %add3A_197, %add3A_300], %broadcast_in_dim3A_3 : memref<26x16x128xf32, #tpu.memory_space<vmem>>[vector<16xi32>, vector<16xi32>, vector<16xi32>], vector<16xf32>,
        %scan3A_301 = arith.constant 0 : i32
        scf.yield %scan3A_301 : i32
      }
      %scan3A_155 = arith.constant 8 : i32
      %scan3A_156 = arith.constant 0 : i32
      %scan3A_157 = arith.constant 0 : i32
      %scan3A_158 = arith.constant 8 : i32
      %scan3A_159 = arith.addi %scan3A_157, %scan3A_158 : i32
      %scan3A_160 = arith.constant 1 : i32
      %scan3A_161 = scf.for %scan3A_192 = %scan3A_157 to %scan3A_159 step %scan3A_160 iter_args(%scan3A_193 = %scan3A_156) -> (i32)  : i32 {
        %broadcast_in_dim3A_194 = arith.constant 8 : i32
        %broadcast_in_dim3A_195 = vector.broadcast %broadcast_in_dim3A_194 : i32 to vector<16xi32>
        %add3A_196 = vector.broadcast %scan3A_192 : i32 to vector<16xi32>
        %add3A_197 = arith.addi %broadcast_in_dim3A_195, %add3A_196 : vector<16xi32>
        %mul3A_198 = arith.constant 8 : i32
        %mul3A_199 = arith.muli %scan3A_192, %mul3A_198 : i32
        %add3A_200 = arith.constant 0 : i32
        %add3A_201 = arith.addi %mul3A_199, %add3A_200 : i32
        %mul3A_202 = arith.constant 16 : i32
        %mul3A_203 = arith.muli %add3A_201, %mul3A_202 : i32
        %add3A_204 = arith.constant 1024 : i32
        %add3A_205 = arith.addi %add3A_204, %mul3A_203 : i32
        %get3A = arith.index_cast %add3A_205 : i32 to index
        %get3A_206 = tpu.vector_load %arg6[%get3A] {strides = array<i32>} : memref<2048xi32, #tpu.memory_space<vmem>>, vector<16xi32>,
        %add3A_207 = arith.constant 0 : i32
        %add3A_208 = vector.broadcast %add3A_207 : i32 to vector<16xi32>
        %add3A_209 = arith.addi %add3A_208, %iota3A_148 : vector<16xi32>
        tpu.vector_store_idx %arg8[%get3A_206, %add3A_197, %add3A_209], %broadcast_in_dim3A_3 : memref<26x16x128xf32, #tpu.memory_space<vmem>>[vector<16xi32>, vector<16xi32>, vector<16xi32>], vector<16xf32>,
        %mul3A_210 = arith.constant 8 : i32
        %mul3A_211 = arith.muli %scan3A_192, %mul3A_210 : i32
        %add3A_212 = arith.constant 1 : i32
        %add3A_213 = arith.addi %mul3A_211, %add3A_212 : i32
        %mul3A_214 = arith.constant 16 : i32
        %mul3A_215 = arith.muli %add3A_213, %mul3A_214 : i32
        %add3A_216 = arith.constant 1024 : i32
        %add3A_217 = arith.addi %add3A_216, %mul3A_215 : i32
        %get3A_218 = arith.index_cast %add3A_217 : i32 to index
        %get3A_219 = tpu.vector_load %arg6[%get3A_218] {strides = array<i32>} : memref<2048xi32, #tpu.memory_space<vmem>>, vector<16xi32>,
        %add3A_220 = arith.constant 16 : i32
        %add3A_221 = vector.broadcast %add3A_220 : i32 to vector<16xi32>
        %add3A_222 = arith.addi %add3A_221, %iota3A_148 : vector<16xi32>
        tpu.vector_store_idx %arg8[%get3A_219, %add3A_197, %add3A_222], %broadcast_in_dim3A_3 : memref<26x16x128xf32, #tpu.memory_space<vmem>>[vector<16xi32>, vector<16xi32>, vector<16xi32>], vector<16xf32>,
        %mul3A_223 = arith.constant 8 : i32
        %mul3A_224 = arith.muli %scan3A_192, %mul3A_223 : i32
        %add3A_225 = arith.constant 2 : i32
        %add3A_226 = arith.addi %mul3A_224, %add3A_225 : i32
        %mul3A_227 = arith.constant 16 : i32
        %mul3A_228 = arith.muli %add3A_226, %mul3A_227 : i32
        %add3A_229 = arith.constant 1024 : i32
        %add3A_230 = arith.addi %add3A_229, %mul3A_228 : i32
        %get3A_231 = arith.index_cast %add3A_230 : i32 to index
        %get3A_232 = tpu.vector_load %arg6[%get3A_231] {strides = array<i32>} : memref<2048xi32, #tpu.memory_space<vmem>>, vector<16xi32>,
        %add3A_233 = arith.constant 32 : i32
        %add3A_234 = vector.broadcast %add3A_233 : i32 to vector<16xi32>
        %add3A_235 = arith.addi %add3A_234, %iota3A_148 : vector<16xi32>
        tpu.vector_store_idx %arg8[%get3A_232, %add3A_197, %add3A_235], %broadcast_in_dim3A_3 : memref<26x16x128xf32, #tpu.memory_space<vmem>>[vector<16xi32>, vector<16xi32>, vector<16xi32>], vector<16xf32>,
        %mul3A_236 = arith.constant 8 : i32
        %mul3A_237 = arith.muli %scan3A_192, %mul3A_236 : i32
        %add3A_238 = arith.constant 3 : i32
        %add3A_239 = arith.addi %mul3A_237, %add3A_238 : i32
        %mul3A_240 = arith.constant 16 : i32
        %mul3A_241 = arith.muli %add3A_239, %mul3A_240 : i32
        %add3A_242 = arith.constant 1024 : i32
        %add3A_243 = arith.addi %add3A_242, %mul3A_241 : i32
        %get3A_244 = arith.index_cast %add3A_243 : i32 to index
        %get3A_245 = tpu.vector_load %arg6[%get3A_244] {strides = array<i32>} : memref<2048xi32, #tpu.memory_space<vmem>>, vector<16xi32>,
        %add3A_246 = arith.constant 48 : i32
        %add3A_247 = vector.broadcast %add3A_246 : i32 to vector<16xi32>
        %add3A_248 = arith.addi %add3A_247, %iota3A_148 : vector<16xi32>
        tpu.vector_store_idx %arg8[%get3A_245, %add3A_197, %add3A_248], %broadcast_in_dim3A_3 : memref<26x16x128xf32, #tpu.memory_space<vmem>>[vector<16xi32>, vector<16xi32>, vector<16xi32>], vector<16xf32>,
        %mul3A_249 = arith.constant 8 : i32
        %mul3A_250 = arith.muli %scan3A_192, %mul3A_249 : i32
        %add3A_251 = arith.constant 4 : i32
        %add3A_252 = arith.addi %mul3A_250, %add3A_251 : i32
        %mul3A_253 = arith.constant 16 : i32
        %mul3A_254 = arith.muli %add3A_252, %mul3A_253 : i32
        %add3A_255 = arith.constant 1024 : i32
        %add3A_256 = arith.addi %add3A_255, %mul3A_254 : i32
        %get3A_257 = arith.index_cast %add3A_256 : i32 to index
        %get3A_258 = tpu.vector_load %arg6[%get3A_257] {strides = array<i32>} : memref<2048xi32, #tpu.memory_space<vmem>>, vector<16xi32>,
        %add3A_259 = arith.constant 64 : i32
        %add3A_260 = vector.broadcast %add3A_259 : i32 to vector<16xi32>
        %add3A_261 = arith.addi %add3A_260, %iota3A_148 : vector<16xi32>
        tpu.vector_store_idx %arg8[%get3A_258, %add3A_197, %add3A_261], %broadcast_in_dim3A_3 : memref<26x16x128xf32, #tpu.memory_space<vmem>>[vector<16xi32>, vector<16xi32>, vector<16xi32>], vector<16xf32>,
        %mul3A_262 = arith.constant 8 : i32
        %mul3A_263 = arith.muli %scan3A_192, %mul3A_262 : i32
        %add3A_264 = arith.constant 5 : i32
        %add3A_265 = arith.addi %mul3A_263, %add3A_264 : i32
        %mul3A_266 = arith.constant 16 : i32
        %mul3A_267 = arith.muli %add3A_265, %mul3A_266 : i32
        %add3A_268 = arith.constant 1024 : i32
        %add3A_269 = arith.addi %add3A_268, %mul3A_267 : i32
        %get3A_270 = arith.index_cast %add3A_269 : i32 to index
        %get3A_271 = tpu.vector_load %arg6[%get3A_270] {strides = array<i32>} : memref<2048xi32, #tpu.memory_space<vmem>>, vector<16xi32>,
        %add3A_272 = arith.constant 80 : i32
        %add3A_273 = vector.broadcast %add3A_272 : i32 to vector<16xi32>
        %add3A_274 = arith.addi %add3A_273, %iota3A_148 : vector<16xi32>
        tpu.vector_store_idx %arg8[%get3A_271, %add3A_197, %add3A_274], %broadcast_in_dim3A_3 : memref<26x16x128xf32, #tpu.memory_space<vmem>>[vector<16xi32>, vector<16xi32>, vector<16xi32>], vector<16xf32>,
        %mul3A_275 = arith.constant 8 : i32
        %mul3A_276 = arith.muli %scan3A_192, %mul3A_275 : i32
        %add3A_277 = arith.constant 6 : i32
        %add3A_278 = arith.addi %mul3A_276, %add3A_277 : i32
        %mul3A_279 = arith.constant 16 : i32
        %mul3A_280 = arith.muli %add3A_278, %mul3A_279 : i32
        %add3A_281 = arith.constant 1024 : i32
        %add3A_282 = arith.addi %add3A_281, %mul3A_280 : i32
        %get3A_283 = arith.index_cast %add3A_282 : i32 to index
        %get3A_284 = tpu.vector_load %arg6[%get3A_283] {strides = array<i32>} : memref<2048xi32, #tpu.memory_space<vmem>>, vector<16xi32>,
        %add3A_285 = arith.constant 96 : i32
        %add3A_286 = vector.broadcast %add3A_285 : i32 to vector<16xi32>
        %add3A_287 = arith.addi %add3A_286, %iota3A_148 : vector<16xi32>
        tpu.vector_store_idx %arg8[%get3A_284, %add3A_197, %add3A_287], %broadcast_in_dim3A_3 : memref<26x16x128xf32, #tpu.memory_space<vmem>>[vector<16xi32>, vector<16xi32>, vector<16xi32>], vector<16xf32>,
        %mul3A_288 = arith.constant 8 : i32
        %mul3A_289 = arith.muli %scan3A_192, %mul3A_288 : i32
        %add3A_290 = arith.constant 7 : i32
        %add3A_291 = arith.addi %mul3A_289, %add3A_290 : i32
        %mul3A_292 = arith.constant 16 : i32
        %mul3A_293 = arith.muli %add3A_291, %mul3A_292 : i32
        %add3A_294 = arith.constant 1024 : i32
        %add3A_295 = arith.addi %add3A_294, %mul3A_293 : i32
        %get3A_296 = arith.index_cast %add3A_295 : i32 to index
        %get3A_297 = tpu.vector_load %arg6[%get3A_296] {strides = array<i32>} : memref<2048xi32, #tpu.memory_space<vmem>>, vector<16xi32>,
        %add3A_298 = arith.constant 112 : i32
        %add3A_299 = vector.broadcast %add3A_298 : i32 to vector<16xi32>
        %add3A_300 = arith.addi %add3A_299, %iota3A_148 : vector<16xi32>
        tpu.vector_store_idx %arg8[%get3A_297, %add3A_197, %add3A_300], %broadcast_in_dim3A_3 : memref<26x16x128xf32, #tpu.memory_space<vmem>>[vector<16xi32>, vector<16xi32>, vector<16xi32>], vector<16xf32>,
        %scan3A_301 = arith.constant 0 : i32
        scf.yield %scan3A_301 : i32
      }
      %scan3A_162 = arith.constant 8 : i32
      %mul3A_163 = arith.constant 2 : i32
      %mul3A_164 = arith.muli %add3A_139, %mul3A_163 : i32
      %add3A_165 = arith.addi %mul3A_2, %mul3A_164 : i32
      %mul3A_166 = arith.constant 1024 : i32
      %mul3A_167 = arith.muli %add3A_165, %mul3A_166 : i32
      "tpu.region"() ({
        %run_scoped3A = tpu.sem_alloc : memref<!tpu.dma_semaphore, #tpu.memory_space<semaphore_mem>>
        %dma_start3A_192 = tpu.memref_slice %arg2[%mul3A_167] : memref<3276800xi32, #tpu.memory_space<hbm>> -> memref<2048xi32, #tpu.memory_space<hbm>>
        %dma_start3A_193 = tpu.memref_slice %arg2[%mul3A_167] : memref<3276800xi32, #tpu.memory_space<hbm>> -> memref<2048xi32, #tpu.memory_space<hbm>>
        tpu.enqueue_dma source(%dma_start3A_193 : memref<2048xi32, #tpu.memory_space<hbm>>) target(%arg6 : memref<2048xi32, #tpu.memory_space<vmem>>) target_semaphore(%run_scoped3A : memref<!tpu.dma_semaphore, #tpu.memory_space<semaphore_mem>>)
        %dma_wait3A_194 = tpu.memref_slice %arg2[%mul3A_167] : memref<3276800xi32, #tpu.memory_space<hbm>> -> memref<2048xi32, #tpu.memory_space<hbm>>
        %dma_wait3A_195 = tpu.memref_slice %arg2[%mul3A_167] : memref<3276800xi32, #tpu.memory_space<hbm>> -> memref<2048xi32, #tpu.memory_space<hbm>>
        tpu.wait_dma2 semaphore(%run_scoped3A : memref<!tpu.dma_semaphore, #tpu.memory_space<semaphore_mem>>) src(%dma_wait3A_195 : memref<2048xi32, #tpu.memory_space<hbm>>) dst(%arg6 : memref<2048xi32, #tpu.memory_space<vmem>>)
        tpu.yield
      }) : () -> ()
      %iota3A_168 = tpu.iota {dimensions = array<i32: 0>} : vector<16xi32>
      %scan3A_169 = arith.constant 0 : i32
      %scan3A_170 = arith.constant 0 : i32
      %scan3A_171 = arith.constant 8 : i32
      %scan3A_172 = arith.addi %scan3A_170, %scan3A_171 : i32
      %scan3A_173 = arith.constant 1 : i32
      %scan3A_174 = scf.for %scan3A_192 = %scan3A_170 to %scan3A_172 step %scan3A_173 iter_args(%scan3A_193 = %scan3A_169) -> (i32)  : i32 {
        %broadcast_in_dim3A_194 = arith.constant 0 : i32
        %broadcast_in_dim3A_195 = vector.broadcast %broadcast_in_dim3A_194 : i32 to vector<16xi32>
        %add3A_196 = vector.broadcast %scan3A_192 : i32 to vector<16xi32>
        %add3A_197 = arith.addi %broadcast_in_dim3A_195, %add3A_196 : vector<16xi32>
        %mul3A_198 = arith.constant 8 : i32
        %mul3A_199 = arith.muli %scan3A_192, %mul3A_198 : i32
        %add3A_200 = arith.constant 0 : i32
        %add3A_201 = arith.addi %mul3A_199, %add3A_200 : i32
        %mul3A_202 = arith.constant 16 : i32
        %mul3A_203 = arith.muli %add3A_201, %mul3A_202 : i32
        %add3A_204 = arith.constant 0 : i32
        %add3A_205 = arith.addi %add3A_204, %mul3A_203 : i32
        %get3A = arith.index_cast %add3A_205 : i32 to index
        %get3A_206 = tpu.vector_load %arg6[%get3A] {strides = array<i32>} : memref<2048xi32, #tpu.memory_space<vmem>>, vector<16xi32>,
        %add3A_207 = arith.constant 0 : i32
        %add3A_208 = vector.broadcast %add3A_207 : i32 to vector<16xi32>
        %add3A_209 = arith.addi %add3A_208, %iota3A_168 : vector<16xi32>
        tpu.vector_store_idx %arg8[%get3A_206, %add3A_197, %add3A_209], %broadcast_in_dim3A_5 : memref<26x16x128xf32, #tpu.memory_space<vmem>>[vector<16xi32>, vector<16xi32>, vector<16xi32>], vector<16xf32>,
        %mul3A_210 = arith.constant 8 : i32
        %mul3A_211 = arith.muli %scan3A_192, %mul3A_210 : i32
        %add3A_212 = arith.constant 1 : i32
        %add3A_213 = arith.addi %mul3A_211, %add3A_212 : i32
        %mul3A_214 = arith.constant 16 : i32
        %mul3A_215 = arith.muli %add3A_213, %mul3A_214 : i32
        %add3A_216 = arith.constant 0 : i32
        %add3A_217 = arith.addi %add3A_216, %mul3A_215 : i32
        %get3A_218 = arith.index_cast %add3A_217 : i32 to index
        %get3A_219 = tpu.vector_load %arg6[%get3A_218] {strides = array<i32>} : memref<2048xi32, #tpu.memory_space<vmem>>, vector<16xi32>,
        %add3A_220 = arith.constant 16 : i32
        %add3A_221 = vector.broadcast %add3A_220 : i32 to vector<16xi32>
        %add3A_222 = arith.addi %add3A_221, %iota3A_168 : vector<16xi32>
        tpu.vector_store_idx %arg8[%get3A_219, %add3A_197, %add3A_222], %broadcast_in_dim3A_5 : memref<26x16x128xf32, #tpu.memory_space<vmem>>[vector<16xi32>, vector<16xi32>, vector<16xi32>], vector<16xf32>,
        %mul3A_223 = arith.constant 8 : i32
        %mul3A_224 = arith.muli %scan3A_192, %mul3A_223 : i32
        %add3A_225 = arith.constant 2 : i32
        %add3A_226 = arith.addi %mul3A_224, %add3A_225 : i32
        %mul3A_227 = arith.constant 16 : i32
        %mul3A_228 = arith.muli %add3A_226, %mul3A_227 : i32
        %add3A_229 = arith.constant 0 : i32
        %add3A_230 = arith.addi %add3A_229, %mul3A_228 : i32
        %get3A_231 = arith.index_cast %add3A_230 : i32 to index
        %get3A_232 = tpu.vector_load %arg6[%get3A_231] {strides = array<i32>} : memref<2048xi32, #tpu.memory_space<vmem>>, vector<16xi32>,
        %add3A_233 = arith.constant 32 : i32
        %add3A_234 = vector.broadcast %add3A_233 : i32 to vector<16xi32>
        %add3A_235 = arith.addi %add3A_234, %iota3A_168 : vector<16xi32>
        tpu.vector_store_idx %arg8[%get3A_232, %add3A_197, %add3A_235], %broadcast_in_dim3A_5 : memref<26x16x128xf32, #tpu.memory_space<vmem>>[vector<16xi32>, vector<16xi32>, vector<16xi32>], vector<16xf32>,
        %mul3A_236 = arith.constant 8 : i32
        %mul3A_237 = arith.muli %scan3A_192, %mul3A_236 : i32
        %add3A_238 = arith.constant 3 : i32
        %add3A_239 = arith.addi %mul3A_237, %add3A_238 : i32
        %mul3A_240 = arith.constant 16 : i32
        %mul3A_241 = arith.muli %add3A_239, %mul3A_240 : i32
        %add3A_242 = arith.constant 0 : i32
        %add3A_243 = arith.addi %add3A_242, %mul3A_241 : i32
        %get3A_244 = arith.index_cast %add3A_243 : i32 to index
        %get3A_245 = tpu.vector_load %arg6[%get3A_244] {strides = array<i32>} : memref<2048xi32, #tpu.memory_space<vmem>>, vector<16xi32>,
        %add3A_246 = arith.constant 48 : i32
        %add3A_247 = vector.broadcast %add3A_246 : i32 to vector<16xi32>
        %add3A_248 = arith.addi %add3A_247, %iota3A_168 : vector<16xi32>
        tpu.vector_store_idx %arg8[%get3A_245, %add3A_197, %add3A_248], %broadcast_in_dim3A_5 : memref<26x16x128xf32, #tpu.memory_space<vmem>>[vector<16xi32>, vector<16xi32>, vector<16xi32>], vector<16xf32>,
        %mul3A_249 = arith.constant 8 : i32
        %mul3A_250 = arith.muli %scan3A_192, %mul3A_249 : i32
        %add3A_251 = arith.constant 4 : i32
        %add3A_252 = arith.addi %mul3A_250, %add3A_251 : i32
        %mul3A_253 = arith.constant 16 : i32
        %mul3A_254 = arith.muli %add3A_252, %mul3A_253 : i32
        %add3A_255 = arith.constant 0 : i32
        %add3A_256 = arith.addi %add3A_255, %mul3A_254 : i32
        %get3A_257 = arith.index_cast %add3A_256 : i32 to index
        %get3A_258 = tpu.vector_load %arg6[%get3A_257] {strides = array<i32>} : memref<2048xi32, #tpu.memory_space<vmem>>, vector<16xi32>,
        %add3A_259 = arith.constant 64 : i32
        %add3A_260 = vector.broadcast %add3A_259 : i32 to vector<16xi32>
        %add3A_261 = arith.addi %add3A_260, %iota3A_168 : vector<16xi32>
        tpu.vector_store_idx %arg8[%get3A_258, %add3A_197, %add3A_261], %broadcast_in_dim3A_5 : memref<26x16x128xf32, #tpu.memory_space<vmem>>[vector<16xi32>, vector<16xi32>, vector<16xi32>], vector<16xf32>,
        %mul3A_262 = arith.constant 8 : i32
        %mul3A_263 = arith.muli %scan3A_192, %mul3A_262 : i32
        %add3A_264 = arith.constant 5 : i32
        %add3A_265 = arith.addi %mul3A_263, %add3A_264 : i32
        %mul3A_266 = arith.constant 16 : i32
        %mul3A_267 = arith.muli %add3A_265, %mul3A_266 : i32
        %add3A_268 = arith.constant 0 : i32
        %add3A_269 = arith.addi %add3A_268, %mul3A_267 : i32
        %get3A_270 = arith.index_cast %add3A_269 : i32 to index
        %get3A_271 = tpu.vector_load %arg6[%get3A_270] {strides = array<i32>} : memref<2048xi32, #tpu.memory_space<vmem>>, vector<16xi32>,
        %add3A_272 = arith.constant 80 : i32
        %add3A_273 = vector.broadcast %add3A_272 : i32 to vector<16xi32>
        %add3A_274 = arith.addi %add3A_273, %iota3A_168 : vector<16xi32>
        tpu.vector_store_idx %arg8[%get3A_271, %add3A_197, %add3A_274], %broadcast_in_dim3A_5 : memref<26x16x128xf32, #tpu.memory_space<vmem>>[vector<16xi32>, vector<16xi32>, vector<16xi32>], vector<16xf32>,
        %mul3A_275 = arith.constant 8 : i32
        %mul3A_276 = arith.muli %scan3A_192, %mul3A_275 : i32
        %add3A_277 = arith.constant 6 : i32
        %add3A_278 = arith.addi %mul3A_276, %add3A_277 : i32
        %mul3A_279 = arith.constant 16 : i32
        %mul3A_280 = arith.muli %add3A_278, %mul3A_279 : i32
        %add3A_281 = arith.constant 0 : i32
        %add3A_282 = arith.addi %add3A_281, %mul3A_280 : i32
        %get3A_283 = arith.index_cast %add3A_282 : i32 to index
        %get3A_284 = tpu.vector_load %arg6[%get3A_283] {strides = array<i32>} : memref<2048xi32, #tpu.memory_space<vmem>>, vector<16xi32>,
        %add3A_285 = arith.constant 96 : i32
        %add3A_286 = vector.broadcast %add3A_285 : i32 to vector<16xi32>
        %add3A_287 = arith.addi %add3A_286, %iota3A_168 : vector<16xi32>
        tpu.vector_store_idx %arg8[%get3A_284, %add3A_197, %add3A_287], %broadcast_in_dim3A_5 : memref<26x16x128xf32, #tpu.memory_space<vmem>>[vector<16xi32>, vector<16xi32>, vector<16xi32>], vector<16xf32>,
        %mul3A_288 = arith.constant 8 : i32
        %mul3A_289 = arith.muli %scan3A_192, %mul3A_288 : i32
        %add3A_290 = arith.constant 7 : i32
        %add3A_291 = arith.addi %mul3A_289, %add3A_290 : i32
        %mul3A_292 = arith.constant 16 : i32
        %mul3A_293 = arith.muli %add3A_291, %mul3A_292 : i32
        %add3A_294 = arith.constant 0 : i32
        %add3A_295 = arith.addi %add3A_294, %mul3A_293 : i32
        %get3A_296 = arith.index_cast %add3A_295 : i32 to index
        %get3A_297 = tpu.vector_load %arg6[%get3A_296] {strides = array<i32>} : memref<2048xi32, #tpu.memory_space<vmem>>, vector<16xi32>,
        %add3A_298 = arith.constant 112 : i32
        %add3A_299 = vector.broadcast %add3A_298 : i32 to vector<16xi32>
        %add3A_300 = arith.addi %add3A_299, %iota3A_168 : vector<16xi32>
        tpu.vector_store_idx %arg8[%get3A_297, %add3A_197, %add3A_300], %broadcast_in_dim3A_5 : memref<26x16x128xf32, #tpu.memory_space<vmem>>[vector<16xi32>, vector<16xi32>, vector<16xi32>], vector<16xf32>,
        %scan3A_301 = arith.constant 0 : i32
        scf.yield %scan3A_301 : i32
      }
      %scan3A_175 = arith.constant 8 : i32
      %scan3A_176 = arith.constant 0 : i32
      %scan3A_177 = arith.constant 0 : i32
      %scan3A_178 = arith.constant 8 : i32
      %scan3A_179 = arith.addi %scan3A_177, %scan3A_178 : i32
      %scan3A_180 = arith.constant 1 : i32
      %scan3A_181 = scf.for %scan3A_192 = %scan3A_177 to %scan3A_179 step %scan3A_180 iter_args(%scan3A_193 = %scan3A_176) -> (i32)  : i32 {
        %broadcast_in_dim3A_194 = arith.constant 8 : i32
        %broadcast_in_dim3A_195 = vector.broadcast %broadcast_in_dim3A_194 : i32 to vector<16xi32>
        %add3A_196 = vector.broadcast %scan3A_192 : i32 to vector<16xi32>
        %add3A_197 = arith.addi %broadcast_in_dim3A_195, %add3A_196 : vector<16xi32>
        %mul3A_198 = arith.constant 8 : i32
        %mul3A_199 = arith.muli %scan3A_192, %mul3A_198 : i32
        %add3A_200 = arith.constant 0 : i32
        %add3A_201 = arith.addi %mul3A_199, %add3A_200 : i32
        %mul3A_202 = arith.constant 16 : i32
        %mul3A_203 = arith.muli %add3A_201, %mul3A_202 : i32
        %add3A_204 = arith.constant 1024 : i32
        %add3A_205 = arith.addi %add3A_204, %mul3A_203 : i32
        %get3A = arith.index_cast %add3A_205 : i32 to index
        %get3A_206 = tpu.vector_load %arg6[%get3A] {strides = array<i32>} : memref<2048xi32, #tpu.memory_space<vmem>>, vector<16xi32>,
        %add3A_207 = arith.constant 0 : i32
        %add3A_208 = vector.broadcast %add3A_207 : i32 to vector<16xi32>
        %add3A_209 = arith.addi %add3A_208, %iota3A_168 : vector<16xi32>
        tpu.vector_store_idx %arg8[%get3A_206, %add3A_197, %add3A_209], %broadcast_in_dim3A_5 : memref<26x16x128xf32, #tpu.memory_space<vmem>>[vector<16xi32>, vector<16xi32>, vector<16xi32>], vector<16xf32>,
        %mul3A_210 = arith.constant 8 : i32
        %mul3A_211 = arith.muli %scan3A_192, %mul3A_210 : i32
        %add3A_212 = arith.constant 1 : i32
        %add3A_213 = arith.addi %mul3A_211, %add3A_212 : i32
        %mul3A_214 = arith.constant 16 : i32
        %mul3A_215 = arith.muli %add3A_213, %mul3A_214 : i32
        %add3A_216 = arith.constant 1024 : i32
        %add3A_217 = arith.addi %add3A_216, %mul3A_215 : i32
        %get3A_218 = arith.index_cast %add3A_217 : i32 to index
        %get3A_219 = tpu.vector_load %arg6[%get3A_218] {strides = array<i32>} : memref<2048xi32, #tpu.memory_space<vmem>>, vector<16xi32>,
        %add3A_220 = arith.constant 16 : i32
        %add3A_221 = vector.broadcast %add3A_220 : i32 to vector<16xi32>
        %add3A_222 = arith.addi %add3A_221, %iota3A_168 : vector<16xi32>
        tpu.vector_store_idx %arg8[%get3A_219, %add3A_197, %add3A_222], %broadcast_in_dim3A_5 : memref<26x16x128xf32, #tpu.memory_space<vmem>>[vector<16xi32>, vector<16xi32>, vector<16xi32>], vector<16xf32>,
        %mul3A_223 = arith.constant 8 : i32
        %mul3A_224 = arith.muli %scan3A_192, %mul3A_223 : i32
        %add3A_225 = arith.constant 2 : i32
        %add3A_226 = arith.addi %mul3A_224, %add3A_225 : i32
        %mul3A_227 = arith.constant 16 : i32
        %mul3A_228 = arith.muli %add3A_226, %mul3A_227 : i32
        %add3A_229 = arith.constant 1024 : i32
        %add3A_230 = arith.addi %add3A_229, %mul3A_228 : i32
        %get3A_231 = arith.index_cast %add3A_230 : i32 to index
        %get3A_232 = tpu.vector_load %arg6[%get3A_231] {strides = array<i32>} : memref<2048xi32, #tpu.memory_space<vmem>>, vector<16xi32>,
        %add3A_233 = arith.constant 32 : i32
        %add3A_234 = vector.broadcast %add3A_233 : i32 to vector<16xi32>
        %add3A_235 = arith.addi %add3A_234, %iota3A_168 : vector<16xi32>
        tpu.vector_store_idx %arg8[%get3A_232, %add3A_197, %add3A_235], %broadcast_in_dim3A_5 : memref<26x16x128xf32, #tpu.memory_space<vmem>>[vector<16xi32>, vector<16xi32>, vector<16xi32>], vector<16xf32>,
        %mul3A_236 = arith.constant 8 : i32
        %mul3A_237 = arith.muli %scan3A_192, %mul3A_236 : i32
        %add3A_238 = arith.constant 3 : i32
        %add3A_239 = arith.addi %mul3A_237, %add3A_238 : i32
        %mul3A_240 = arith.constant 16 : i32
        %mul3A_241 = arith.muli %add3A_239, %mul3A_240 : i32
        %add3A_242 = arith.constant 1024 : i32
        %add3A_243 = arith.addi %add3A_242, %mul3A_241 : i32
        %get3A_244 = arith.index_cast %add3A_243 : i32 to index
        %get3A_245 = tpu.vector_load %arg6[%get3A_244] {strides = array<i32>} : memref<2048xi32, #tpu.memory_space<vmem>>, vector<16xi32>,
        %add3A_246 = arith.constant 48 : i32
        %add3A_247 = vector.broadcast %add3A_246 : i32 to vector<16xi32>
        %add3A_248 = arith.addi %add3A_247, %iota3A_168 : vector<16xi32>
        tpu.vector_store_idx %arg8[%get3A_245, %add3A_197, %add3A_248], %broadcast_in_dim3A_5 : memref<26x16x128xf32, #tpu.memory_space<vmem>>[vector<16xi32>, vector<16xi32>, vector<16xi32>], vector<16xf32>,
        %mul3A_249 = arith.constant 8 : i32
        %mul3A_250 = arith.muli %scan3A_192, %mul3A_249 : i32
        %add3A_251 = arith.constant 4 : i32
        %add3A_252 = arith.addi %mul3A_250, %add3A_251 : i32
        %mul3A_253 = arith.constant 16 : i32
        %mul3A_254 = arith.muli %add3A_252, %mul3A_253 : i32
        %add3A_255 = arith.constant 1024 : i32
        %add3A_256 = arith.addi %add3A_255, %mul3A_254 : i32
        %get3A_257 = arith.index_cast %add3A_256 : i32 to index
        %get3A_258 = tpu.vector_load %arg6[%get3A_257] {strides = array<i32>} : memref<2048xi32, #tpu.memory_space<vmem>>, vector<16xi32>,
        %add3A_259 = arith.constant 64 : i32
        %add3A_260 = vector.broadcast %add3A_259 : i32 to vector<16xi32>
        %add3A_261 = arith.addi %add3A_260, %iota3A_168 : vector<16xi32>
        tpu.vector_store_idx %arg8[%get3A_258, %add3A_197, %add3A_261], %broadcast_in_dim3A_5 : memref<26x16x128xf32, #tpu.memory_space<vmem>>[vector<16xi32>, vector<16xi32>, vector<16xi32>], vector<16xf32>,
        %mul3A_262 = arith.constant 8 : i32
        %mul3A_263 = arith.muli %scan3A_192, %mul3A_262 : i32
        %add3A_264 = arith.constant 5 : i32
        %add3A_265 = arith.addi %mul3A_263, %add3A_264 : i32
        %mul3A_266 = arith.constant 16 : i32
        %mul3A_267 = arith.muli %add3A_265, %mul3A_266 : i32
        %add3A_268 = arith.constant 1024 : i32
        %add3A_269 = arith.addi %add3A_268, %mul3A_267 : i32
        %get3A_270 = arith.index_cast %add3A_269 : i32 to index
        %get3A_271 = tpu.vector_load %arg6[%get3A_270] {strides = array<i32>} : memref<2048xi32, #tpu.memory_space<vmem>>, vector<16xi32>,
        %add3A_272 = arith.constant 80 : i32
        %add3A_273 = vector.broadcast %add3A_272 : i32 to vector<16xi32>
        %add3A_274 = arith.addi %add3A_273, %iota3A_168 : vector<16xi32>
        tpu.vector_store_idx %arg8[%get3A_271, %add3A_197, %add3A_274], %broadcast_in_dim3A_5 : memref<26x16x128xf32, #tpu.memory_space<vmem>>[vector<16xi32>, vector<16xi32>, vector<16xi32>], vector<16xf32>,
        %mul3A_275 = arith.constant 8 : i32
        %mul3A_276 = arith.muli %scan3A_192, %mul3A_275 : i32
        %add3A_277 = arith.constant 6 : i32
        %add3A_278 = arith.addi %mul3A_276, %add3A_277 : i32
        %mul3A_279 = arith.constant 16 : i32
        %mul3A_280 = arith.muli %add3A_278, %mul3A_279 : i32
        %add3A_281 = arith.constant 1024 : i32
        %add3A_282 = arith.addi %add3A_281, %mul3A_280 : i32
        %get3A_283 = arith.index_cast %add3A_282 : i32 to index
        %get3A_284 = tpu.vector_load %arg6[%get3A_283] {strides = array<i32>} : memref<2048xi32, #tpu.memory_space<vmem>>, vector<16xi32>,
        %add3A_285 = arith.constant 96 : i32
        %add3A_286 = vector.broadcast %add3A_285 : i32 to vector<16xi32>
        %add3A_287 = arith.addi %add3A_286, %iota3A_168 : vector<16xi32>
        tpu.vector_store_idx %arg8[%get3A_284, %add3A_197, %add3A_287], %broadcast_in_dim3A_5 : memref<26x16x128xf32, #tpu.memory_space<vmem>>[vector<16xi32>, vector<16xi32>, vector<16xi32>], vector<16xf32>,
        %mul3A_288 = arith.constant 8 : i32
        %mul3A_289 = arith.muli %scan3A_192, %mul3A_288 : i32
        %add3A_290 = arith.constant 7 : i32
        %add3A_291 = arith.addi %mul3A_289, %add3A_290 : i32
        %mul3A_292 = arith.constant 16 : i32
        %mul3A_293 = arith.muli %add3A_291, %mul3A_292 : i32
        %add3A_294 = arith.constant 1024 : i32
        %add3A_295 = arith.addi %add3A_294, %mul3A_293 : i32
        %get3A_296 = arith.index_cast %add3A_295 : i32 to index
        %get3A_297 = tpu.vector_load %arg6[%get3A_296] {strides = array<i32>} : memref<2048xi32, #tpu.memory_space<vmem>>, vector<16xi32>,
        %add3A_298 = arith.constant 112 : i32
        %add3A_299 = vector.broadcast %add3A_298 : i32 to vector<16xi32>
        %add3A_300 = arith.addi %add3A_299, %iota3A_168 : vector<16xi32>
        tpu.vector_store_idx %arg8[%get3A_297, %add3A_197, %add3A_300], %broadcast_in_dim3A_5 : memref<26x16x128xf32, #tpu.memory_space<vmem>>[vector<16xi32>, vector<16xi32>, vector<16xi32>], vector<16xf32>,
        %scan3A_301 = arith.constant 0 : i32
        scf.yield %scan3A_301 : i32
      }
      %scan3A_182 = arith.constant 8 : i32
      %mul3A_183 = arith.constant 8 : i32
      %mul3A_184 = arith.muli %add3A_165, %mul3A_183 : i32
      %dma_start3A_185 = arith.constant 0 : i32
      %dma_start3A_186 = arith.constant 0 : i32
      %dma_start3A_187 = tpu.memref_slice %arg4[%dma_start3A_185, %mul3A_184, %dma_start3A_186] : memref<26x25600x128xf32, #tpu.memory_space<hbm>> -> memref<26x16x128xf32, #tpu.memory_space<hbm>>
      %dma_start3A_188 = arith.constant 0 : i32
      %dma_start3A_189 = arith.constant 0 : i32
      %dma_start3A_190 = tpu.memref_slice %arg4[%dma_start3A_188, %mul3A_184, %dma_start3A_189] : memref<26x25600x128xf32, #tpu.memory_space<hbm>> -> memref<26x16x128xf32, #tpu.memory_space<hbm>>
      tpu.enqueue_dma source(%arg8 : memref<26x16x128xf32, #tpu.memory_space<vmem>>) target(%dma_start3A_190 : memref<26x16x128xf32, #tpu.memory_space<hbm>>) target_semaphore(%arg10 : memref<!tpu.dma_semaphore, #tpu.memory_space<semaphore_mem>>)
      %scan3A_191 = arith.constant 0 : i32
      scf.yield %scan3A_191 : i32
    }
    %scan3A_63 = arith.constant 24 : i32
    %dma_wait3A = arith.constant 0 : i32
    %dma_wait3A_64 = arith.constant 0 : i32
    %dma_wait3A_65 = arith.constant 0 : i32
    %dma_wait3A_66 = tpu.memref_slice %arg4[%dma_wait3A, %dma_wait3A_64, %dma_wait3A_65] : memref<26x25600x128xf32, #tpu.memory_space<hbm>> -> memref<26x16x128xf32, #tpu.memory_space<hbm>>
    %dma_wait3A_67 = arith.constant 0 : i32
    %dma_wait3A_68 = arith.constant 0 : i32
    %dma_wait3A_69 = arith.constant 0 : i32
    %dma_wait3A_70 = tpu.memref_slice %arg4[%dma_wait3A_67, %dma_wait3A_68, %dma_wait3A_69] : memref<26x25600x128xf32, #tpu.memory_space<hbm>> -> memref<26x16x128xf32, #tpu.memory_space<hbm>>
    tpu.wait_dma2 semaphore(%arg9 : memref<!tpu.dma_semaphore, #tpu.memory_space<semaphore_mem>>) src(%arg7 : memref<26x16x128xf32, #tpu.memory_space<vmem>>) dst(%dma_wait3A_70 : memref<26x16x128xf32, #tpu.memory_space<hbm>>)
    %dma_wait3A_71 = arith.constant 0 : i32
    %dma_wait3A_72 = arith.constant 0 : i32
    %dma_wait3A_73 = arith.constant 0 : i32
    %dma_wait3A_74 = tpu.memref_slice %arg4[%dma_wait3A_71, %dma_wait3A_72, %dma_wait3A_73] : memref<26x25600x128xf32, #tpu.memory_space<hbm>> -> memref<26x16x128xf32, #tpu.memory_space<hbm>>
    %dma_wait3A_75 = arith.constant 0 : i32
    %dma_wait3A_76 = arith.constant 0 : i32
    %dma_wait3A_77 = arith.constant 0 : i32
    %dma_wait3A_78 = tpu.memref_slice %arg4[%dma_wait3A_75, %dma_wait3A_76, %dma_wait3A_77] : memref<26x25600x128xf32, #tpu.memory_space<hbm>> -> memref<26x16x128xf32, #tpu.memory_space<hbm>>
    tpu.wait_dma2 semaphore(%arg10 : memref<!tpu.dma_semaphore, #tpu.memory_space<semaphore_mem>>) src(%arg8 : memref<26x16x128xf32, #tpu.memory_space<vmem>>) dst(%dma_wait3A_78 : memref<26x16x128xf32, #tpu.memory_space<hbm>>)
    return
  }
}

</mosaic_0001>

<sc_bundles>
// kernel: kernel.3.cloned.1.call-start
scs
__scs_entry_jumppad:
0x0: {  	(pc) =	sbr.rel $0x88, $3  }
0x1: {  	(tag) =	ssettag $0x0;
	lr =	simm.s32 $0x1  }
0x2: {  	[smem:$0x3FA0] =	sst lr;
	_ =	strace $0xD0000000  }
0x3: {  	_ = 	snop  }
0x4: {  	_ = 	snop  }
0x5: {  	_ = 	snop  }
0x6: {  	_ = 	snop  }
0x7: {  	_ = 	snop  }
__scs_overlays_trampoline_lowered:
0x8: {  	[smem:$0x3FAF] =	sst s0  }
0x9: {  	[smem:$0x3FB0] =	sst s1  }
0xa: {  	[smem:$0x3FB1] =	sst s2  }
0xb: {  	[smem:$0x3FB2] =	sst s3  }
0xc: {  	[smem:$0x3FB3] =	sst s4  }
0xd: {  	[smem:$0x3FB4] =	sst s5  }
0xe: {  	[smem:$0x3FB5] =	sst s6  }
0xf: {  	[smem:$0x3FB6] =	sst s7  }
0x10: {  	[smem:$0x3FB7] =	sst s8  }
0x11: {  	[smem:$0x3FB8] =	sst s9;
	s0 =	simm.s32 @!p0 $0x0  }
0x12: {  	s1 =	sld [smem:$0x3F9E];
	s0 =	simm.s32 @p0 $0x1  }
0x13: {  	[smem:$0x3FB9] =	sst s0;
	s0 =	simm.s32 @!p1 $0x0  }
0x14: {  	s2 =	sld [smem:$0x3F9D];
	s0 =	simm.s32 @p1 $0x1  }
0x15: {  	[smem:$0x3FBA] =	sst s0;
	s0 =	simm.s32 @!p2 $0x0  }
0x16: {  	s3 =	sld [smem:$0x3FDB];
	s0 =	simm.s32 @p2 $0x1  }
0x17: {  	s4 =	simm.s32 $0x1BF5;
	[smem:$0x3FBC] =	sst s0  }
0x18: {  	s0 =	sld [smem:$0x3F9F];
	_ =	swait.ge [sflag:s4], $0x0  }
0x19: {  	s7 =	sld [smem:$0x3FA0]  }
0x1a: {  	s8 =	sadd.s32 $0xFFFFE003, lr  }
0x1b: {  	s9 =	sadd.s32 $0xFFFFFEF7, lr;
	s5 =	simm.s32 $0xFFFFFFFF;
	p2 =	slt.u32 s8, $0xFFFFF086  }
0x1c: {  	p1 =	slt.u32 s9, $0xF7A;
	s5 =	simm.s32 @!p2 $0x0  }
0x1d: {  	s5 =	simm.s32 @p1 $0x1;
	p0 =	seq.s32 s7, s2  }
0x1e: {  	s7 =	smul.u32 @!p0 $0xF7A, s2;
	p2 =	seq.s32 @!p0 s5, $0x0  }
0x1f: {  	s9 =	smul.u32 $0xF7A, s1;
	s8 =	simm.s32 @!p0 $0x1BF5;
	p2 =	por !p2, p0  }
0x20: {  	[sflag:s8] =	ssyncset.s32 @!p0 $0xFFFFF086;
	s6 =	sadd.s32 @!p0 s3, s7;
	s7 =	simm.s32 @!p0 $0x108  }
0x21: {  	s3 =	sadd.s32 s3, s9;
	s6 =	sadd.s32 @!p0 $0x88, s6;
	s7 =	simm.s32 @p2 $0x1082  }
0x22: {  	[simem:s7], [sflag:s8] =	dma.local @!p0 [hbm:s6], $0xF7A  }
0x23: {  	s9 =	sor.u32 $0xD0000000, s2;
	s6 =	simm.s32 $0x108;
	_ =	swait.ge @!p0 [sflag:s8], $0x0  }
0x24: {  	s3 =	sadd.s32 $0x88, s3;
	s6 =	simm.s32 @!p1 $0x1082;
	[sflag:s4] =	ssyncset.s32 $0xFFFFF086  }
0x25: {  	[simem:s6], [sflag:s4] =	dma.local [hbm:s3], $0xF7A  }
0x26: {  	[smem:$0x3FA0] =	sst s1;
	(tag) =	ssettag s2;
	_ =	strace s9  }
0x27: {  	s1 =	sld [smem:$0x3FB0]  }
0x28: {  	s2 =	sld [smem:$0x3FB1]  }
0x29: {  	s4 =	sld [smem:$0x3FB3]  }
0x2a: {  	p0 =	seq.s32 s5, $0x0;
	s5 =	sld [smem:$0x3FB4]  }
0x2b: {  	s6 =	sld [smem:$0x3FB5]  }
0x2c: {  	s7 =	sld [smem:$0x3FB6]  }
0x2d: {  	s3 =	simm.s32 $0x108;
	s8 =	sld [smem:$0x3FB7]  }
0x2e: {  	s3 =	simm.s32 @!p0 $0x1082;
	s9 =	sld [smem:$0x3FB8]  }
0x2f: {  	lr =	sadd.s32 s0, s3;
	s0 =	sld [smem:$0x3FAF]  }
0x30: {  	s3 =	sld [smem:$0x3FB2]  }
0x31: {  	[smem:$0x3FBB] =	sst s10  }
0x32: {  	s10 =	sld [smem:$0x3FB9];
	_ =	sdelay $0x3  }
0x33: {  	p0 =	seq.s32 s10, $0x1;
	s10 =	sld [smem:$0x3FBB];
	_ =	sdelay $0x3  }
0x34: {  	[smem:$0x3FBB] =	sst s10  }
0x35: {  	s10 =	sld [smem:$0x3FBA];
	_ =	sdelay $0x3  }
0x36: {  	p1 =	seq.s32 s10, $0x1;
	s10 =	sld [smem:$0x3FBB];
	_ =	sdelay $0x3  }
0x37: {  	[smem:$0x3FBB] =	sst s10  }
0x38: {  	s10 =	sld [smem:$0x3FBC]  }
0x39: {  	_ = 	snop;
	(pc) =	sbr.ind lr, $3  }
0x3a: {  	_ = 	snop  }
0x3b: {  	_ = 	snop  }
0x3c: {  	p2 =	seq.s32 s10, $0x1;
	s10 =	sld [smem:$0x3FBB]  }
0x3d: {  	_ =	shalt  }
0x3e: {  	_ =	shalt  }
0x3f: {  	_ =	shalt  }
0x40: {  	_ =	shalt  }
0x41: {  	_ =	shalt  }
0x42: {  	_ =	shalt  }
0x43: {  	_ =	shalt  }
0x44: {  	_ =	shalt  }
0x45: {  	_ =	shalt  }
0x46: {  	_ =	shalt  }
0x47: {  	_ =	shalt  }
0x48: {  	_ =	shalt  }
0x49: {  	_ =	shalt  }
0x4a: {  	_ =	shalt  }
0x4b: {  	_ =	shalt  }
0x4c: {  	_ =	shalt  }
0x4d: {  	_ =	shalt  }
0x4e: {  	_ =	shalt  }
0x4f: {  	_ =	shalt  }
0x50: {  	_ =	shalt  }
0x51: {  	_ =	shalt  }
0x52: {  	_ =	shalt  }
0x53: {  	_ =	shalt  }
0x54: {  	_ =	shalt  }
0x55: {  	_ =	shalt  }
0x56: {  	_ =	shalt  }
0x57: {  	_ =	shalt  }
0x58: {  	_ =	shalt  }
0x59: {  	_ =	shalt  }
0x5a: {  	_ =	shalt  }
0x5b: {  	_ =	shalt  }
0x5c: {  	_ =	shalt  }
0x5d: {  	_ =	shalt  }
0x5e: {  	_ =	shalt  }
0x5f: {  	_ =	shalt  }
0x60: {  	_ =	shalt  }
0x61: {  	_ =	shalt  }
0x62: {  	_ =	shalt  }
0x63: {  	_ =	shalt  }
0x64: {  	_ =	shalt  }
0x65: {  	_ =	shalt  }
0x66: {  	_ =	shalt  }
0x67: {  	_ =	shalt  }
0x68: {  	_ =	shalt  }
0x69: {  	_ =	shalt  }
0x6a: {  	_ =	shalt  }
0x6b: {  	_ =	shalt  }
0x6c: {  	_ =	shalt  }
0x6d: {  	_ =	shalt  }
0x6e: {  	_ =	shalt  }
0x6f: {  	_ =	shalt  }
0x70: {  	_ =	shalt  }
0x71: {  	_ =	shalt  }
0x72: {  	_ =	shalt  }
0x73: {  	_ =	shalt  }
0x74: {  	_ =	shalt  }
0x75: {  	_ =	shalt  }
0x76: {  	_ =	shalt  }
0x77: {  	_ =	shalt  }
0x78: {  	_ =	shalt  }
0x79: {  	_ =	shalt  }
0x7a: {  	_ =	shalt  }
0x7b: {  	_ =	shalt  }
0x7c: {  	_ =	shalt  }
0x7d: {  	_ =	shalt  }
0x7e: {  	_ =	shalt  }
0x7f: {  	_ =	shalt  }
0x80: {  	_ =	shalt  }
0x81: {  	_ =	shalt  }
0x82: {  	_ =	shalt  }
0x83: {  	_ =	shalt  }
0x84: {  	_ =	shalt  }
0x85: {  	_ =	shalt  }
0x86: {  	_ =	shalt  }
0x87: {  	_ =	shalt  }
.Lfunc_end0:
.L_simem_size_0:
called_computation_lowered:
.L_overlay_start_0:
0x88: {  	s2 =	sld [smem:$0x3FD9]  }
0x89: {  	s3 =	sld [smem:$0x3FFE];
	_ =	sdelay $0x1  }
0x8a: {  	s1 =	srdreg.scid  }
0x8b: {  	s0 =	sand.u32 $0x1, s1  }
0x8c: {  	s17 =	sshll.u32 s0, $0xA;
	s2 =	sadd.s32 s3, s2  }
0x8d: {  	s2 =	sadd.s32 s2, s17  }
0x8e: {  	[smem:$0x3FC7] =	sst s2  }
0x8f: {  	_ = 	snop  }
0x90: {  	s2 =	sld [smem:$0x3FC9]  }
0x91: {  	s18 =	sld [smem:$0x3FD0];
	(tm) =	ssettm $0x1  }
0x92: {  	s4 =	sld [smem:$0x3FFB];
	_ =	sdelay $0x3  }
0x93: {  	_ =	strace s4  }
0x94: {  	s4 =	sld [smem:$0x3FFC];
	_ =	sdelay $0x3  }
0x95: {  	_ =	strace s4  }
0x96: {  	s4 =	sld [smem:$0x3FFD];
	_ =	sdelay $0x3  }
0x97: {  	_ =	strace s4  }
0x98: {  	_ =	strace $0x8FFFFFFF  }
0x99: {  	s19 =	sld [smem:$0x3FDB];
	_ =	sdelay $0x1  }
0x9a: {  	s5 =	simm.s32 $_scs_section_size  }
0x9b: {  	s6 =	simm.s32 $_size__tile_overlayer_lowered;
	s7 =	simm.s32 $_tile_overlayer_lowered  }
0x9c: {  	s22 =	simm.s32 $0x1BFF;
	s21 =	sshll.u32 s7, $0x1;
	s4 =	sadd.s32 s5, s19  }
0x9d: {  	s8 =	simm.s32 $0x0;
	s20 =	sshll.u32 s6, $0x1;
	s6 =	sadd.s32 s21, s4  }
0x9e: {  	[timem:s8], [sflag:s22] =	dma.local [hbm:s6], s20  }
0x9f: {  	_ =	swait.ge [sflag:s22], s20  }
0xa0: {  	s5 =	ssub.s32 $0x0, s20;
	[sflag:s22] =	ssyncset.done $0x0  }
0xa1: {  	[sflag:s22] =	ssyncadd.s32 s5;
	_ =	sdelay $0x1  }
0xa2: {  	s23 =	simm.s32 $0x1B8B  }
0xa3: {  	_ =	swait.ge [sflag:s23], $0x1  }
0xa4: {  	[sflag:s23] =	ssyncset.done $0x0  }
0xa5: {  	s25 =	simm.s32 $0x1B8E;
	s24 =	sld [smem:$0x3FFE];
	[sflag:s23] =	ssyncadd.s32 $0xFFFFFFFF  }
0xa6: {  	s26 =	simm.s32 $execute0_lowered;
	[smem:$0x3FD2] =	sst s25  }
0xa7: {  	s6 =	sshll.u32 s26, $0x1;
	_ =	strace $0x80000046;
	[dreg:$0x1] =	wrdreg $0xFFFFFFFF  }
0xa8: {  	s28 =	simm.s32 $_size_execute0_lowered;
	s4 =	sadd.s32 s4, s6;
	[dreg:$0x0] =	wrdreg $0x0  }
0xa9: {  	s6 =	sshll.u32 s28, $0x1;
	[dreg:$0x2] =	wrdreg s4  }
0xaa: {  	[dreg:$0x3] =	wrdreg s6  }
0xab: {  	[dreg:$0x4] =	wrdreg $0xC0  }
0xac: {  	_ =	task [dreg:s8], $0x5FFFF  }
0xad: {  	[dreg:$0x1] =	wrdreg $0xFFFFFFFF  }
0xae: {  	[dreg:$0x0] =	wrdreg $0x60  }
0xaf: {  	[dreg:$0x2] =	wrdreg s2  }
0xb0: {  	[dreg:$0x3] =	wrdreg s24  }
0xb1: {  	[dreg:$0x4] =	wrdreg s18  }
0xb2: {  	[dreg:$0x5] =	wrdreg $0x9  }
0xb3: {  	_ =	task.clear_ibuf [dreg:s8], $0x6FFFF;
	_ =	strace $0x90000046  }
0xb4: {  	s29 =	simm.s32 $0x9;
	_ =	strace $0x80000048  }
0xb5: {  	_ =	swait.ge [sflag:s29], $0x1  }
0xb6: {  	[sflag:s29] =	ssyncadd.s32 $0xFFFFFFFF  }
0xb7: {  	_ =	strace $0x90000048  }
0xb8: {  	_ =	sfence  }
0xb9: {  	s30 =	sld [smem:$0x0];
	_ =	sdelay $0x2  }
0xba: {  	s31 =	sshll.u32 s1, $0xD;
	s1 =	sshrl.u32 s1, $0x2  }
0xbb: {  	s3 =	sand.u32 $0x4000, s31;
	s1 =	sadd.s32 s1, s30  }
0xbc: {  	s0 =	sor.u32 s3, s0;
	s1 =	sshll.u32 s1, $0x11  }
0xbd: {  	s0 =	sor.u32 s1, s0  }
0xbe: {  	s0 =	sadd.s32 $0x8F2B, s0  }
0xbf: {  	[sflag:s0] =	ssyncadd.remote.s32 $0x1  }
0xc0: {  	_ =	sfence.sel $0xFFFF  }
0xc1: {  	[dreg:$0x0] =	wrdreg $0xFFFFFFFF;
	(pc) =	sbr.abs _section_cstart, $3  }
0xc2: {  	[dreg:$0x1] =	wrdreg $0xFFFFFFFF  }
0xc3: {  	_ =	task.clear_ibuf [dreg:s8], $0x2FFFF;
	_ =	strace $0x9FFFFFFF  }
0xc4: {  	(tm) =	ssettm $0x7FFFFFFF  }
0xc5: {  	_ =	shalt  }
tec
execute0_lowered:
.L_overlay_start_1:
0x0: {  	(tag) =	ssettag $0x1  }
0x1: {  	s1 =	rddreg [dreg:$0x0]  }
0x2: {  	s5 =	rddreg [dreg:$0x1]  }
0x3: {  	s3 =	rddreg [dreg:$0x2]  }
0x4: {  	s0 =	rddreg [dreg:$0x3]  }
0x5: {  	s6 =	srdreg.scid;
	s2 =	stileid.u32  }
0x6: {  	s4 =	simm.s32 $0x0;
	s13 =	simm.s32 $0x1000;
	s14 =	simm.s32 $0xE000  }
0x7: {  	s15 =	simm.s32 $0x1;
	s16 =	simm.s32 $0x3;
	s17 =	simm.s32 $0x800  }
0x8: {  	s18 =	simm.s32 $0x320000;
	s6 =	sand.u32 $0x1, s6;
	s7 =	sshll.u32 s2, $0x1  }
0x9: {  	s19 =	simm.s32 $0x2;
	s8 =	ssub.s32 $0x2, s6;
	s6 =	sor.u32 s6, s7  }
0xa: {  	s20 =	simm.s32 $0x0;
	[smem:$0x7FF] =	sst s4;
	s9 =	smul.u32 $0x3200, s6  }
0xb: {  	v0 =	vlaneseq.u32;
	s5 =	sadd.s32 $0x400, s5;
	s31 =	sshrl.u32 s8, $0x1;
	s6 =	smul.u32 $0x64, s6  }
0xc: {  	v1 =	vimm.f32 $1.000000000e+00;
	v9 =	vimm.f32 $0.0e+00;
	v2 =	vor.u32 $0x10, v0;
	_ =	strace $0x80000047;
	s12 =	ssub.s32 s8, s31;
	s7 =	sadd.s32 s1, s9  }
0xd: {  	v3 =	vor.u32 $0x20, v0;
	v4 =	vor.u32 $0x30, v0;
	v5 =	vor.u32 $0x40, v0;
	s8 =	sadd.s32 s3, s9;
	s10 =	sor.u32 $0x100, s9;
	s11 =	sor.u32 $0x2, s6  }
0xe: {  	v6 =	vor.u32 $0x50, v0;
	v7 =	vor.u32 $0x60, v0;
	v8 =	vor.u32 $0x70, v0;
	s12 =	smax.u32 s12, $0x1;
	s9 =	sadd.s32 s1, s10;
	s10 =	sadd.s32 s3, s10  }
.LBB2_1:
0xf: {  	[tilespmem:s13], [sflag:$0x1] =	stream.linear.gather [hbm4b:s5+s4], $0xD000, $0x38;
	[tilespmem:$0x1B000] =	vst v63  }
0x10: {  	_ = 	snop  }
0x11: {  	[tilespmem:s14], [sflag:$0x2] =	stream.linear.gather [hbm4b:s5+s4], $0xD000, $0x38;
	[tilespmem:$0x1B000] =	vst v63  }
0x12: {  	_ =	swait.ge [sflag:s15], $0xD000  }
0x13: {  	[sflag:s15] =	ssyncset.done $0x0  }
0x14: {  	[sflag:s15] =	ssyncadd.s32 $0xFFFF3000  }
0x15: {  	[tilespmem:s4], [sflag:$0x3] =	stream.linear.gather [hbm4b:s7+s4], $0x800, $0x38;
	[tilespmem:$0x1B000] =	vst v63  }
0x16: {  	_ =	swait.ge [sflag:s16], $0x800  }
0x17: {  	[sflag:s16] =	ssyncset.done $0x0  }
0x18: {  	s21 =	simm.s32 $0x40;
	s22 =	simm.s32 $0x0;
	[sflag:s16] =	ssyncadd.s32 $0xFFFFF800  }
.LBB2_2:
0x19: {  	v10 =	vld [tilespmem:s21+$0xFFFFFFC0];
	_ =	sdelay $0x4  }
0x1a: {  	s23 =	sshll.u32 s22, $0x7;
	v10 =	vshll.u32 v10, $0xB  }
0x1b: {  	v10 =	vadd.s32 s23, v10  }
0x1c: {  	v10 =	vor.u32 v0, v10;
	_ =	sdelay $0x4  }
0x1d: {  	[tilespmem:v10+s13+$0x0] =	vst.idx.msk $0xffff, v1  }
0x1e: {  	v10 =	vld [tilespmem:s21+$0xFFFFFFD0];
	_ =	sdelay $0x4  }
0x1f: {  	v10 =	vshll.u32 v10, $0xB  }
0x20: {  	v10 =	vadd.s32 s23, v10  }
0x21: {  	v10 =	vor.u32 v2, v10;
	_ =	sdelay $0x4  }
0x22: {  	[tilespmem:v10+s13+$0x0] =	vst.idx.msk $0xffff, v1  }
0x23: {  	v10 =	vld [tilespmem:s21+$0xFFFFFFE0];
	_ =	sdelay $0x4  }
0x24: {  	v10 =	vshll.u32 v10, $0xB  }
0x25: {  	v10 =	vadd.s32 s23, v10  }
0x26: {  	v10 =	vor.u32 v3, v10;
	_ =	sdelay $0x4  }
0x27: {  	[tilespmem:v10+s13+$0x0] =	vst.idx.msk $0xffff, v1  }
0x28: {  	v10 =	vld [tilespmem:s21+$0xFFFFFFF0];
	_ =	sdelay $0x4  }
0x29: {  	v10 =	vshll.u32 v10, $0xB  }
0x2a: {  	v10 =	vadd.s32 s23, v10  }
0x2b: {  	v10 =	vor.u32 v4, v10;
	_ =	sdelay $0x4  }
0x2c: {  	[tilespmem:v10+s13+$0x0] =	vst.idx.msk $0xffff, v1  }
0x2d: {  	v10 =	vld [tilespmem:s21+$0x0];
	_ =	sdelay $0x4  }
0x2e: {  	v10 =	vshll.u32 v10, $0xB  }
0x2f: {  	v10 =	vadd.s32 s23, v10  }
0x30: {  	v10 =	vor.u32 v5, v10;
	_ =	sdelay $0x4  }
0x31: {  	[tilespmem:v10+s13+$0x0] =	vst.idx.msk $0xffff, v1  }
0x32: {  	v10 =	vld [tilespmem:s21+$0x10];
	_ =	sdelay $0x4  }
0x33: {  	v10 =	vshll.u32 v10, $0xB  }
0x34: {  	v10 =	vadd.s32 s23, v10  }
0x35: {  	v10 =	vor.u32 v6, v10;
	_ =	sdelay $0x4  }
0x36: {  	[tilespmem:v10+s13+$0x0] =	vst.idx.msk $0xffff, v1  }
0x37: {  	v10 =	vld [tilespmem:s21+$0x20];
	_ =	sdelay $0x4  }
0x38: {  	v10 =	vshll.u32 v10, $0xB  }
0x39: {  	v10 =	vadd.s32 s23, v10  }
0x3a: {  	v10 =	vor.u32 v7, v10;
	_ =	sdelay $0x4  }
0x3b: {  	[tilespmem:v10+s13+$0x0] =	vst.idx.msk $0xffff, v1  }
0x3c: {  	v10 =	vld [tilespmem:s21+$0x30];
	_ =	sdelay $0x4  }
0x3d: {  	v10 =	vshll.u32 v10, $0xB  }
0x3e: {  	v10 =	vadd.s32 s23, v10  }
0x3f: {  	p0 =	sne.s32 s22, $0x7;
	v10 =	vor.u32 v8, v10  }
.Ltmp0:
0x40: {  	_ = 	snop;
	(pc) =	sbr.rel @p0 .LBB2_2-.Ltmp0, $2  }
0x41: {  	_ =	sdelay $0x2  }
0x42: {  	s22 =	sadd.s32 $0x1, s22;
	s21 =	sadd.s32 $0x80, s21;
	[tilespmem:v10+s13+$0x0] =	vst.idx.msk $0xffff, v1  }
0x43: {  	s21 =	simm.s32 $0x0;
	s22 =	simm.s32 $0x470  }
.LBB2_4:
0x44: {  	v10 =	vld [tilespmem:s22+$0xFFFFFF90]  }
0x45: {  	v11 =	vmov s21  }
0x46: {  	v11 =	vadd.s32 $0x8, v11  }
0x47: {  	v11 =	vshll.u32 v11, $0x7  }
0x48: {  	v11 =	vbroadcast v11, $0x0  }
0x49: {  	v10 =	vshll.u32 v10, $0xB  }
0x4a: {  	v10 =	vadd.s32 v11, v10  }
0x4b: {  	v10 =	vor.u32 v0, v10;
	_ =	sdelay $0x4  }
0x4c: {  	[tilespmem:v10+s13+$0x0] =	vst.idx.msk $0xffff, v1  }
0x4d: {  	v10 =	vld [tilespmem:s22+$0xFFFFFFA0];
	_ =	sdelay $0x4  }
0x4e: {  	v10 =	vshll.u32 v10, $0xB  }
0x4f: {  	v10 =	vadd.s32 v11, v10  }
0x50: {  	v10 =	vor.u32 v2, v10;
	_ =	sdelay $0x4  }
0x51: {  	[tilespmem:v10+s13+$0x0] =	vst.idx.msk $0xffff, v1  }
0x52: {  	v10 =	vld [tilespmem:s22+$0xFFFFFFB0];
	_ =	sdelay $0x4  }
0x53: {  	v10 =	vshll.u32 v10, $0xB  }
0x54: {  	v10 =	vadd.s32 v11, v10  }
0x55: {  	v10 =	vor.u32 v3, v10;
	_ =	sdelay $0x4  }
0x56: {  	[tilespmem:v10+s13+$0x0] =	vst.idx.msk $0xffff, v1  }
0x57: {  	v10 =	vld [tilespmem:s22+$0xFFFFFFC0];
	_ =	sdelay $0x4  }
0x58: {  	v10 =	vshll.u32 v10, $0xB  }
0x59: {  	v10 =	vadd.s32 v11, v10  }
0x5a: {  	v10 =	vor.u32 v4, v10;
	_ =	sdelay $0x4  }
0x5b: {  	[tilespmem:v10+s13+$0x0] =	vst.idx.msk $0xffff, v1  }
0x5c: {  	v10 =	vld [tilespmem:s22+$0xFFFFFFD0];
	_ =	sdelay $0x4  }
0x5d: {  	v10 =	vshll.u32 v10, $0xB  }
0x5e: {  	v10 =	vadd.s32 v11, v10  }
0x5f: {  	v10 =	vor.u32 v5, v10;
	_ =	sdelay $0x4  }
0x60: {  	[tilespmem:v10+s13+$0x0] =	vst.idx.msk $0xffff, v1  }
0x61: {  	v10 =	vld [tilespmem:s22+$0xFFFFFFE0];
	_ =	sdelay $0x4  }
0x62: {  	v10 =	vshll.u32 v10, $0xB  }
0x63: {  	v10 =	vadd.s32 v11, v10  }
0x64: {  	v10 =	vor.u32 v6, v10;
	_ =	sdelay $0x4  }
0x65: {  	[tilespmem:v10+s13+$0x0] =	vst.idx.msk $0xffff, v1  }
0x66: {  	v10 =	vld [tilespmem:s22+$0xFFFFFFF0];
	_ =	sdelay $0x4  }
0x67: {  	v10 =	vshll.u32 v10, $0xB  }
0x68: {  	v10 =	vadd.s32 v11, v10  }
0x69: {  	v10 =	vor.u32 v7, v10;
	_ =	sdelay $0x4  }
0x6a: {  	[tilespmem:v10+s13+$0x0] =	vst.idx.msk $0xffff, v1  }
0x6b: {  	v10 =	vld [tilespmem:s22+$0x0];
	_ =	sdelay $0x4  }
0x6c: {  	v10 =	vshll.u32 v10, $0xB  }
0x6d: {  	v10 =	vadd.s32 v11, v10  }
0x6e: {  	p0 =	sne.s32 s21, $0x7;
	v10 =	vor.u32 v8, v10  }
.Ltmp1:
0x6f: {  	_ = 	snop;
	(pc) =	sbr.rel @p0 .LBB2_4-.Ltmp1, $2  }
0x70: {  	_ =	sdelay $0x2  }
0x71: {  	s21 =	sadd.s32 $0x1, s21;
	s22 =	sadd.s32 $0x80, s22;
	[tilespmem:v10+s13+$0x0] =	vst.idx.msk $0xffff, v1  }
0x72: {  	[hbm4b:s8+s17] =	stream.strided.scatter [tilespmem:s13], [sflag:$0x1], $0xD000, s18, s17, $0x38;
	[tilespmem:$0x1B000] =	vst v63  }
0x73: {  	_ =	swait.ge [sflag:s19], $0xD000  }
0x74: {  	[sflag:s19] =	ssyncset.done $0x0  }
0x75: {  	s21 =	simm.s32 $0x0;
	[sflag:s19] =	ssyncadd.s32 $0xFFFF3000  }
0x76: {  	[tilespmem:s17], [sflag:$0x3] =	stream.linear.gather [hbm4b:s9+s21], $0x800, $0x38;
	[tilespmem:$0x1B000] =	vst v63  }
0x77: {  	_ =	swait.ge [sflag:s16], $0x800  }
0x78: {  	[sflag:s16] =	ssyncset.done $0x0  }
0x79: {  	s22 =	simm.s32 $0x840;
	s23 =	simm.s32 $0x0;
	[sflag:s16] =	ssyncadd.s32 $0xFFFFF800  }
.LBB2_6:
0x7a: {  	v10 =	vld [tilespmem:s22+$0xFFFFFFC0];
	_ =	sdelay $0x4  }
0x7b: {  	s24 =	sshll.u32 s23, $0x7;
	v10 =	vshll.u32 v10, $0xB  }
0x7c: {  	v10 =	vadd.s32 s24, v10  }
0x7d: {  	v10 =	vor.u32 v0, v10;
	_ =	sdelay $0x4  }
0x7e: {  	[tilespmem:v10+s14+$0x0] =	vst.idx.msk $0xffff, v1  }
0x7f: {  	v10 =	vld [tilespmem:s22+$0xFFFFFFD0];
	_ =	sdelay $0x4  }
0x80: {  	v10 =	vshll.u32 v10, $0xB  }
0x81: {  	v10 =	vadd.s32 s24, v10  }
0x82: {  	v10 =	vor.u32 v2, v10;
	_ =	sdelay $0x4  }
0x83: {  	[tilespmem:v10+s14+$0x0] =	vst.idx.msk $0xffff, v1  }
0x84: {  	v10 =	vld [tilespmem:s22+$0xFFFFFFE0];
	_ =	sdelay $0x4  }
0x85: {  	v10 =	vshll.u32 v10, $0xB  }
0x86: {  	v10 =	vadd.s32 s24, v10  }
0x87: {  	v10 =	vor.u32 v3, v10;
	_ =	sdelay $0x4  }
0x88: {  	[tilespmem:v10+s14+$0x0] =	vst.idx.msk $0xffff, v1  }
0x89: {  	v10 =	vld [tilespmem:s22+$0xFFFFFFF0];
	_ =	sdelay $0x4  }
0x8a: {  	v10 =	vshll.u32 v10, $0xB  }
0x8b: {  	v10 =	vadd.s32 s24, v10  }
0x8c: {  	v10 =	vor.u32 v4, v10;
	_ =	sdelay $0x4  }
0x8d: {  	[tilespmem:v10+s14+$0x0] =	vst.idx.msk $0xffff, v1  }
0x8e: {  	v10 =	vld [tilespmem:s22+$0x0];
	_ =	sdelay $0x4  }
0x8f: {  	v10 =	vshll.u32 v10, $0xB  }
0x90: {  	v10 =	vadd.s32 s24, v10  }
0x91: {  	v10 =	vor.u32 v5, v10;
	_ =	sdelay $0x4  }
0x92: {  	[tilespmem:v10+s14+$0x0] =	vst.idx.msk $0xffff, v1  }
0x93: {  	v10 =	vld [tilespmem:s22+$0x10];
	_ =	sdelay $0x4  }
0x94: {  	v10 =	vshll.u32 v10, $0xB  }
0x95: {  	v10 =	vadd.s32 s24, v10  }
0x96: {  	v10 =	vor.u32 v6, v10;
	_ =	sdelay $0x4  }
0x97: {  	[tilespmem:v10+s14+$0x0] =	vst.idx.msk $0xffff, v1  }
0x98: {  	v10 =	vld [tilespmem:s22+$0x20];
	_ =	sdelay $0x4  }
0x99: {  	v10 =	vshll.u32 v10, $0xB  }
0x9a: {  	v10 =	vadd.s32 s24, v10  }
0x9b: {  	v10 =	vor.u32 v7, v10;
	_ =	sdelay $0x4  }
0x9c: {  	[tilespmem:v10+s14+$0x0] =	vst.idx.msk $0xffff, v1  }
0x9d: {  	v10 =	vld [tilespmem:s22+$0x30];
	_ =	sdelay $0x4  }
0x9e: {  	v10 =	vshll.u32 v10, $0xB  }
0x9f: {  	v10 =	vadd.s32 s24, v10  }
0xa0: {  	p0 =	sne.s32 s23, $0x7;
	v10 =	vor.u32 v8, v10  }
.Ltmp2:
0xa1: {  	_ = 	snop;
	(pc) =	sbr.rel @p0 .LBB2_6-.Ltmp2, $2  }
0xa2: {  	_ =	sdelay $0x2  }
0xa3: {  	s23 =	sadd.s32 $0x1, s23;
	s22 =	sadd.s32 $0x80, s22;
	[tilespmem:v10+s14+$0x0] =	vst.idx.msk $0xffff, v1  }
0xa4: {  	s22 =	simm.s32 $0xC70  }
.LBB2_8:
0xa5: {  	v10 =	vld [tilespmem:s22+$0xFFFFFF90]  }
0xa6: {  	v11 =	vmov s21  }
0xa7: {  	v11 =	vadd.s32 $0x8, v11  }
0xa8: {  	v11 =	vshll.u32 v11, $0x7  }
0xa9: {  	v11 =	vbroadcast v11, $0x0  }
0xaa: {  	v10 =	vshll.u32 v10, $0xB  }
0xab: {  	v10 =	vadd.s32 v11, v10  }
0xac: {  	v10 =	vor.u32 v0, v10;
	_ =	sdelay $0x4  }
0xad: {  	[tilespmem:v10+s14+$0x0] =	vst.idx.msk $0xffff, v1  }
0xae: {  	v10 =	vld [tilespmem:s22+$0xFFFFFFA0];
	_ =	sdelay $0x4  }
0xaf: {  	v10 =	vshll.u32 v10, $0xB  }
0xb0: {  	v10 =	vadd.s32 v11, v10  }
0xb1: {  	v10 =	vor.u32 v2, v10;
	_ =	sdelay $0x4  }
0xb2: {  	[tilespmem:v10+s14+$0x0] =	vst.idx.msk $0xffff, v1  }
0xb3: {  	v10 =	vld [tilespmem:s22+$0xFFFFFFB0];
	_ =	sdelay $0x4  }
0xb4: {  	v10 =	vshll.u32 v10, $0xB  }
0xb5: {  	v10 =	vadd.s32 v11, v10  }
0xb6: {  	v10 =	vor.u32 v3, v10;
	_ =	sdelay $0x4  }
0xb7: {  	[tilespmem:v10+s14+$0x0] =	vst.idx.msk $0xffff, v1  }
0xb8: {  	v10 =	vld [tilespmem:s22+$0xFFFFFFC0];
	_ =	sdelay $0x4  }
0xb9: {  	v10 =	vshll.u32 v10, $0xB  }
0xba: {  	v10 =	vadd.s32 v11, v10  }
0xbb: {  	v10 =	vor.u32 v4, v10;
	_ =	sdelay $0x4  }
0xbc: {  	[tilespmem:v10+s14+$0x0] =	vst.idx.msk $0xffff, v1  }
0xbd: {  	v10 =	vld [tilespmem:s22+$0xFFFFFFD0];
	_ =	sdelay $0x4  }
0xbe: {  	v10 =	vshll.u32 v10, $0xB  }
0xbf: {  	v10 =	vadd.s32 v11, v10  }
0xc0: {  	v10 =	vor.u32 v5, v10;
	_ =	sdelay $0x4  }
0xc1: {  	[tilespmem:v10+s14+$0x0] =	vst.idx.msk $0xffff, v1  }
0xc2: {  	v10 =	vld [tilespmem:s22+$0xFFFFFFE0];
	_ =	sdelay $0x4  }
0xc3: {  	v10 =	vshll.u32 v10, $0xB  }
0xc4: {  	v10 =	vadd.s32 v11, v10  }
0xc5: {  	v10 =	vor.u32 v6, v10;
	_ =	sdelay $0x4  }
0xc6: {  	[tilespmem:v10+s14+$0x0] =	vst.idx.msk $0xffff, v1  }
0xc7: {  	v10 =	vld [tilespmem:s22+$0xFFFFFFF0];
	_ =	sdelay $0x4  }
0xc8: {  	v10 =	vshll.u32 v10, $0xB  }
0xc9: {  	v10 =	vadd.s32 v11, v10  }
0xca: {  	v10 =	vor.u32 v7, v10;
	_ =	sdelay $0x4  }
0xcb: {  	[tilespmem:v10+s14+$0x0] =	vst.idx.msk $0xffff, v1  }
0xcc: {  	v10 =	vld [tilespmem:s22+$0x0];
	_ =	sdelay $0x4  }
0xcd: {  	v10 =	vshll.u32 v10, $0xB  }
0xce: {  	v10 =	vadd.s32 v11, v10  }
0xcf: {  	p0 =	sne.s32 s21, $0x7;
	v10 =	vor.u32 v8, v10  }
.Ltmp3:
0xd0: {  	_ = 	snop;
	(pc) =	sbr.rel @p0 .LBB2_8-.Ltmp3, $2  }
0xd1: {  	_ =	sdelay $0x2  }
0xd2: {  	s21 =	sadd.s32 $0x1, s21;
	s22 =	sadd.s32 $0x80, s22;
	[tilespmem:v10+s14+$0x0] =	vst.idx.msk $0xffff, v1  }
0xd3: {  	[hbm4b:s10+s17] =	stream.strided.scatter [tilespmem:s14], [sflag:$0x2], $0xD000, s18, s17, $0x38;
	[tilespmem:$0x1B000] =	vst v63  }
0xd4: {  	s21 =	simm.s32 $0x1  }
.LBB2_10:
0xd5: {  	_ =	swait.ge [sflag:s15], $0xD000  }
0xd6: {  	s22 =	simm.s32 $0x0;
	[sflag:s15] =	ssyncset.done $0x0  }
0xd7: {  	s23 =	simm.s32 $0x40;
	s24 =	simm.s32 $0x0;
	[sflag:s15] =	ssyncadd.s32 $0xFFFF3000  }
.LBB2_11:
0xd8: {  	v10 =	vld [tilespmem:s23+$0xFFFFFFC0];
	_ =	sdelay $0x4  }
0xd9: {  	s25 =	sshll.u32 s24, $0x7;
	v10 =	vshll.u32 v10, $0xB  }
0xda: {  	v10 =	vadd.s32 s25, v10  }
0xdb: {  	v10 =	vor.u32 v0, v10;
	_ =	sdelay $0x4  }
0xdc: {  	[tilespmem:v10+s13+$0x0] =	vst.idx.msk $0xffff, v9  }
0xdd: {  	v10 =	vld [tilespmem:s23+$0xFFFFFFD0];
	_ =	sdelay $0x4  }
0xde: {  	v10 =	vshll.u32 v10, $0xB  }
0xdf: {  	v10 =	vadd.s32 s25, v10  }
0xe0: {  	v10 =	vor.u32 v2, v10;
	_ =	sdelay $0x4  }
0xe1: {  	[tilespmem:v10+s13+$0x0] =	vst.idx.msk $0xffff, v9  }
0xe2: {  	v10 =	vld [tilespmem:s23+$0xFFFFFFE0];
	_ =	sdelay $0x4  }
0xe3: {  	v10 =	vshll.u32 v10, $0xB  }
0xe4: {  	v10 =	vadd.s32 s25, v10  }
0xe5: {  	v10 =	vor.u32 v3, v10;
	_ =	sdelay $0x4  }
0xe6: {  	[tilespmem:v10+s13+$0x0] =	vst.idx.msk $0xffff, v9  }
0xe7: {  	v10 =	vld [tilespmem:s23+$0xFFFFFFF0];
	_ =	sdelay $0x4  }
0xe8: {  	v10 =	vshll.u32 v10, $0xB  }
0xe9: {  	v10 =	vadd.s32 s25, v10  }
0xea: {  	v10 =	vor.u32 v4, v10;
	_ =	sdelay $0x4  }
0xeb: {  	[tilespmem:v10+s13+$0x0] =	vst.idx.msk $0xffff, v9  }
0xec: {  	v10 =	vld [tilespmem:s23+$0x0];
	_ =	sdelay $0x4  }
0xed: {  	v10 =	vshll.u32 v10, $0xB  }
0xee: {  	v10 =	vadd.s32 s25, v10  }
0xef: {  	v10 =	vor.u32 v5, v10;
	_ =	sdelay $0x4  }
0xf0: {  	[tilespmem:v10+s13+$0x0] =	vst.idx.msk $0xffff, v9  }
0xf1: {  	v10 =	vld [tilespmem:s23+$0x10];
	_ =	sdelay $0x4  }
0xf2: {  	v10 =	vshll.u32 v10, $0xB  }
0xf3: {  	v10 =	vadd.s32 s25, v10  }
0xf4: {  	v10 =	vor.u32 v6, v10;
	_ =	sdelay $0x4  }
0xf5: {  	[tilespmem:v10+s13+$0x0] =	vst.idx.msk $0xffff, v9  }
0xf6: {  	v10 =	vld [tilespmem:s23+$0x20];
	_ =	sdelay $0x4  }
0xf7: {  	v10 =	vshll.u32 v10, $0xB  }
0xf8: {  	v10 =	vadd.s32 s25, v10  }
0xf9: {  	v10 =	vor.u32 v7, v10;
	_ =	sdelay $0x4  }
0xfa: {  	[tilespmem:v10+s13+$0x0] =	vst.idx.msk $0xffff, v9  }
0xfb: {  	v10 =	vld [tilespmem:s23+$0x30];
	_ =	sdelay $0x4  }
0xfc: {  	v10 =	vshll.u32 v10, $0xB  }
0xfd: {  	v10 =	vadd.s32 s25, v10  }
0xfe: {  	p0 =	sne.s32 s24, $0x7;
	v10 =	vor.u32 v8, v10  }
.Ltmp4:
0xff: {  	_ = 	snop;
	(pc) =	sbr.rel @p0 .LBB2_11-.Ltmp4, $2  }
0x100: {  	_ =	sdelay $0x2  }
0x101: {  	s24 =	sadd.s32 $0x1, s24;
	s23 =	sadd.s32 $0x80, s23;
	[tilespmem:v10+s13+$0x0] =	vst.idx.msk $0xffff, v9  }
0x102: {  	s23 =	simm.s32 $0x470  }
.LBB2_13:
0x103: {  	v10 =	vld [tilespmem:s23+$0xFFFFFF90]  }
0x104: {  	v11 =	vmov s22  }
0x105: {  	v11 =	vadd.s32 $0x8, v11  }
0x106: {  	v11 =	vshll.u32 v11, $0x7  }
0x107: {  	v11 =	vbroadcast v11, $0x0  }
0x108: {  	v10 =	vshll.u32 v10, $0xB  }
0x109: {  	v10 =	vadd.s32 v11, v10  }
0x10a: {  	v10 =	vor.u32 v0, v10;
	_ =	sdelay $0x4  }
0x10b: {  	[tilespmem:v10+s13+$0x0] =	vst.idx.msk $0xffff, v9  }
0x10c: {  	v10 =	vld [tilespmem:s23+$0xFFFFFFA0];
	_ =	sdelay $0x4  }
0x10d: {  	v10 =	vshll.u32 v10, $0xB  }
0x10e: {  	v10 =	vadd.s32 v11, v10  }
0x10f: {  	v10 =	vor.u32 v2, v10;
	_ =	sdelay $0x4  }
0x110: {  	[tilespmem:v10+s13+$0x0] =	vst.idx.msk $0xffff, v9  }
0x111: {  	v10 =	vld [tilespmem:s23+$0xFFFFFFB0];
	_ =	sdelay $0x4  }
0x112: {  	v10 =	vshll.u32 v10, $0xB  }
0x113: {  	v10 =	vadd.s32 v11, v10  }
0x114: {  	v10 =	vor.u32 v3, v10;
	_ =	sdelay $0x4  }
0x115: {  	[tilespmem:v10+s13+$0x0] =	vst.idx.msk $0xffff, v9  }
0x116: {  	v10 =	vld [tilespmem:s23+$0xFFFFFFC0];
	_ =	sdelay $0x4  }
0x117: {  	v10 =	vshll.u32 v10, $0xB  }
0x118: {  	v10 =	vadd.s32 v11, v10  }
0x119: {  	v10 =	vor.u32 v4, v10;
	_ =	sdelay $0x4  }
0x11a: {  	[tilespmem:v10+s13+$0x0] =	vst.idx.msk $0xffff, v9  }
0x11b: {  	v10 =	vld [tilespmem:s23+$0xFFFFFFD0];
	_ =	sdelay $0x4  }
0x11c: {  	v10 =	vshll.u32 v10, $0xB  }
0x11d: {  	v10 =	vadd.s32 v11, v10  }
0x11e: {  	v10 =	vor.u32 v5, v10;
	_ =	sdelay $0x4  }
0x11f: {  	[tilespmem:v10+s13+$0x0] =	vst.idx.msk $0xffff, v9  }
0x120: {  	v10 =	vld [tilespmem:s23+$0xFFFFFFE0];
	_ =	sdelay $0x4  }
0x121: {  	v10 =	vshll.u32 v10, $0xB  }
0x122: {  	v10 =	vadd.s32 v11, v10  }
0x123: {  	v10 =	vor.u32 v6, v10;
	_ =	sdelay $0x4  }
0x124: {  	[tilespmem:v10+s13+$0x0] =	vst.idx.msk $0xffff, v9  }
0x125: {  	v10 =	vld [tilespmem:s23+$0xFFFFFFF0];
	_ =	sdelay $0x4  }
0x126: {  	v10 =	vshll.u32 v10, $0xB  }
0x127: {  	v10 =	vadd.s32 v11, v10  }
0x128: {  	v10 =	vor.u32 v7, v10;
	_ =	sdelay $0x4  }
0x129: {  	[tilespmem:v10+s13+$0x0] =	vst.idx.msk $0xffff, v9  }
0x12a: {  	v10 =	vld [tilespmem:s23+$0x0];
	_ =	sdelay $0x4  }
0x12b: {  	v10 =	vshll.u32 v10, $0xB  }
0x12c: {  	v10 =	vadd.s32 v11, v10  }
0x12d: {  	p0 =	sne.s32 s22, $0x7;
	v10 =	vor.u32 v8, v10  }
.Ltmp5:
0x12e: {  	_ = 	snop;
	(pc) =	sbr.rel @p0 .LBB2_13-.Ltmp5, $2  }
0x12f: {  	_ =	sdelay $0x2  }
0x130: {  	s22 =	sadd.s32 $0x1, s22;
	s23 =	sadd.s32 $0x80, s23;
	[tilespmem:v10+s13+$0x0] =	vst.idx.msk $0xffff, v9  }
0x131: {  	s22 =	sshll.u32 s21, $0x2  }
0x132: {  	s23 =	sadd.s32 s6, s22  }
0x133: {  	s23 =	sshll.u32 s23, $0x7  }
0x134: {  	s23 =	sand.u32 $0x1FFFFE00, s23  }
0x135: {  	s24 =	simm.s32 $0x0;
	s25 =	sadd.s32 s1, s23  }
0x136: {  	[tilespmem:s24], [sflag:$0x3] =	stream.linear.gather [hbm4b:s25+s24], $0x800, $0x38;
	[tilespmem:$0x1B000] =	vst v63  }
0x137: {  	_ =	swait.ge [sflag:s16], $0x800  }
0x138: {  	[sflag:s16] =	ssyncset.done $0x0  }
0x139: {  	s26 =	simm.s32 $0x0;
	s25 =	simm.s32 $0x40;
	[sflag:s16] =	ssyncadd.s32 $0xFFFFF800  }
.LBB2_15:
0x13a: {  	v10 =	vld [tilespmem:s25+$0xFFFFFFC0];
	_ =	sdelay $0x4  }
0x13b: {  	s28 =	sshll.u32 s26, $0x7;
	v10 =	vshll.u32 v10, $0xB  }
0x13c: {  	v10 =	vadd.s32 s28, v10  }
0x13d: {  	v10 =	vor.u32 v0, v10;
	_ =	sdelay $0x4  }
0x13e: {  	[tilespmem:v10+s13+$0x0] =	vst.idx.msk $0xffff, v1  }
0x13f: {  	v10 =	vld [tilespmem:s25+$0xFFFFFFD0];
	_ =	sdelay $0x4  }
0x140: {  	v10 =	vshll.u32 v10, $0xB  }
0x141: {  	v10 =	vadd.s32 s28, v10  }
0x142: {  	v10 =	vor.u32 v2, v10;
	_ =	sdelay $0x4  }
0x143: {  	[tilespmem:v10+s13+$0x0] =	vst.idx.msk $0xffff, v1  }
0x144: {  	v10 =	vld [tilespmem:s25+$0xFFFFFFE0];
	_ =	sdelay $0x4  }
0x145: {  	v10 =	vshll.u32 v10, $0xB  }
0x146: {  	v10 =	vadd.s32 s28, v10  }
0x147: {  	v10 =	vor.u32 v3, v10;
	_ =	sdelay $0x4  }
0x148: {  	[tilespmem:v10+s13+$0x0] =	vst.idx.msk $0xffff, v1  }
0x149: {  	v10 =	vld [tilespmem:s25+$0xFFFFFFF0];
	_ =	sdelay $0x4  }
0x14a: {  	v10 =	vshll.u32 v10, $0xB  }
0x14b: {  	v10 =	vadd.s32 s28, v10  }
0x14c: {  	v10 =	vor.u32 v4, v10;
	_ =	sdelay $0x4  }
0x14d: {  	[tilespmem:v10+s13+$0x0] =	vst.idx.msk $0xffff, v1  }
0x14e: {  	v10 =	vld [tilespmem:s25+$0x0];
	_ =	sdelay $0x4  }
0x14f: {  	v10 =	vshll.u32 v10, $0xB  }
0x150: {  	v10 =	vadd.s32 s28, v10  }
0x151: {  	v10 =	vor.u32 v5, v10;
	_ =	sdelay $0x4  }
0x152: {  	[tilespmem:v10+s13+$0x0] =	vst.idx.msk $0xffff, v1  }
0x153: {  	v10 =	vld [tilespmem:s25+$0x10];
	_ =	sdelay $0x4  }
0x154: {  	v10 =	vshll.u32 v10, $0xB  }
0x155: {  	v10 =	vadd.s32 s28, v10  }
0x156: {  	v10 =	vor.u32 v6, v10;
	_ =	sdelay $0x4  }
0x157: {  	[tilespmem:v10+s13+$0x0] =	vst.idx.msk $0xffff, v1  }
0x158: {  	v10 =	vld [tilespmem:s25+$0x20];
	_ =	sdelay $0x4  }
0x159: {  	v10 =	vshll.u32 v10, $0xB  }
0x15a: {  	v10 =	vadd.s32 s28, v10  }
0x15b: {  	v10 =	vor.u32 v7, v10;
	_ =	sdelay $0x4  }
0x15c: {  	[tilespmem:v10+s13+$0x0] =	vst.idx.msk $0xffff, v1  }
0x15d: {  	v10 =	vld [tilespmem:s25+$0x30];
	_ =	sdelay $0x4  }
0x15e: {  	v10 =	vshll.u32 v10, $0xB  }
0x15f: {  	v10 =	vadd.s32 s28, v10  }
0x160: {  	p0 =	sne.s32 s26, $0x7;
	v10 =	vor.u32 v8, v10  }
.Ltmp6:
0x161: {  	_ = 	snop;
	(pc) =	sbr.rel @p0 .LBB2_15-.Ltmp6, $2  }
0x162: {  	_ =	sdelay $0x2  }
0x163: {  	s26 =	sadd.s32 $0x1, s26;
	s25 =	sadd.s32 $0x80, s25;
	[tilespmem:v10+s13+$0x0] =	vst.idx.msk $0xffff, v1  }
0x164: {  	s25 =	simm.s32 $0x470  }
.LBB2_17:
0x165: {  	v10 =	vld [tilespmem:s25+$0xFFFFFF90]  }
0x166: {  	v11 =	vmov s24  }
0x167: {  	v11 =	vadd.s32 $0x8, v11  }
0x168: {  	v11 =	vshll.u32 v11, $0x7  }
0x169: {  	v11 =	vbroadcast v11, $0x0  }
0x16a: {  	v10 =	vshll.u32 v10, $0xB  }
0x16b: {  	v10 =	vadd.s32 v11, v10  }
0x16c: {  	v10 =	vor.u32 v0, v10;
	_ =	sdelay $0x4  }
0x16d: {  	[tilespmem:v10+s13+$0x0] =	vst.idx.msk $0xffff, v1  }
0x16e: {  	v10 =	vld [tilespmem:s25+$0xFFFFFFA0];
	_ =	sdelay $0x4  }
0x16f: {  	v10 =	vshll.u32 v10, $0xB  }
0x170: {  	v10 =	vadd.s32 v11, v10  }
0x171: {  	v10 =	vor.u32 v2, v10;
	_ =	sdelay $0x4  }
0x172: {  	[tilespmem:v10+s13+$0x0] =	vst.idx.msk $0xffff, v1  }
0x173: {  	v10 =	vld [tilespmem:s25+$0xFFFFFFB0];
	_ =	sdelay $0x4  }
0x174: {  	v10 =	vshll.u32 v10, $0xB  }
0x175: {  	v10 =	vadd.s32 v11, v10  }
0x176: {  	v10 =	vor.u32 v3, v10;
	_ =	sdelay $0x4  }
0x177: {  	[tilespmem:v10+s13+$0x0] =	vst.idx.msk $0xffff, v1  }
0x178: {  	v10 =	vld [tilespmem:s25+$0xFFFFFFC0];
	_ =	sdelay $0x4  }
0x179: {  	v10 =	vshll.u32 v10, $0xB  }
0x17a: {  	v10 =	vadd.s32 v11, v10  }
0x17b: {  	v10 =	vor.u32 v4, v10;
	_ =	sdelay $0x4  }
0x17c: {  	[tilespmem:v10+s13+$0x0] =	vst.idx.msk $0xffff, v1  }
0x17d: {  	v10 =	vld [tilespmem:s25+$0xFFFFFFD0];
	_ =	sdelay $0x4  }
0x17e: {  	v10 =	vshll.u32 v10, $0xB  }
0x17f: {  	v10 =	vadd.s32 v11, v10  }
0x180: {  	v10 =	vor.u32 v5, v10;
	_ =	sdelay $0x4  }
0x181: {  	[tilespmem:v10+s13+$0x0] =	vst.idx.msk $0xffff, v1  }
0x182: {  	v10 =	vld [tilespmem:s25+$0xFFFFFFE0];
	_ =	sdelay $0x4  }
0x183: {  	v10 =	vshll.u32 v10, $0xB  }
0x184: {  	v10 =	vadd.s32 v11, v10  }
0x185: {  	v10 =	vor.u32 v6, v10;
	_ =	sdelay $0x4  }
0x186: {  	[tilespmem:v10+s13+$0x0] =	vst.idx.msk $0xffff, v1  }
0x187: {  	v10 =	vld [tilespmem:s25+$0xFFFFFFF0];
	_ =	sdelay $0x4  }
0x188: {  	v10 =	vshll.u32 v10, $0xB  }
0x189: {  	v10 =	vadd.s32 v11, v10  }
0x18a: {  	v10 =	vor.u32 v7, v10;
	_ =	sdelay $0x4  }
0x18b: {  	[tilespmem:v10+s13+$0x0] =	vst.idx.msk $0xffff, v1  }
0x18c: {  	v10 =	vld [tilespmem:s25+$0x0];
	_ =	sdelay $0x4  }
0x18d: {  	v10 =	vshll.u32 v10, $0xB  }
0x18e: {  	v10 =	vadd.s32 v11, v10  }
0x18f: {  	p0 =	sne.s32 s24, $0x7;
	v10 =	vor.u32 v8, v10  }
.Ltmp7:
0x190: {  	_ = 	snop;
	(pc) =	sbr.rel @p0 .LBB2_17-.Ltmp7, $2  }
0x191: {  	_ =	sdelay $0x2  }
0x192: {  	s24 =	sadd.s32 $0x1, s24;
	s25 =	sadd.s32 $0x80, s25;
	[tilespmem:v10+s13+$0x0] =	vst.idx.msk $0xffff, v1  }
0x193: {  	s23 =	sadd.s32 s3, s23  }
0x194: {  	[hbm4b:s23+s17] =	stream.strided.scatter [tilespmem:s13], [sflag:$0x1], $0xD000, s18, s17, $0x38;
	[tilespmem:$0x1B000] =	vst v63  }
0x195: {  	_ =	swait.ge [sflag:s19], $0xD000  }
0x196: {  	s24 =	simm.s32 $0x840;
	[sflag:s19] =	ssyncset.done $0x0  }
0x197: {  	s25 =	simm.s32 $0x0;
	s23 =	simm.s32 $0x0;
	[sflag:s19] =	ssyncadd.s32 $0xFFFF3000  }
.LBB2_19:
0x198: {  	v10 =	vld [tilespmem:s24+$0xFFFFFFC0];
	_ =	sdelay $0x4  }
0x199: {  	s26 =	sshll.u32 s25, $0x7;
	v10 =	vshll.u32 v10, $0xB  }
0x19a: {  	v10 =	vadd.s32 s26, v10  }
0x19b: {  	v10 =	vor.u32 v0, v10;
	_ =	sdelay $0x4  }
0x19c: {  	[tilespmem:v10+s14+$0x0] =	vst.idx.msk $0xffff, v9  }
0x19d: {  	v10 =	vld [tilespmem:s24+$0xFFFFFFD0];
	_ =	sdelay $0x4  }
0x19e: {  	v10 =	vshll.u32 v10, $0xB  }
0x19f: {  	v10 =	vadd.s32 s26, v10  }
0x1a0: {  	v10 =	vor.u32 v2, v10;
	_ =	sdelay $0x4  }
0x1a1: {  	[tilespmem:v10+s14+$0x0] =	vst.idx.msk $0xffff, v9  }
0x1a2: {  	v10 =	vld [tilespmem:s24+$0xFFFFFFE0];
	_ =	sdelay $0x4  }
0x1a3: {  	v10 =	vshll.u32 v10, $0xB  }
0x1a4: {  	v10 =	vadd.s32 s26, v10  }
0x1a5: {  	v10 =	vor.u32 v3, v10;
	_ =	sdelay $0x4  }
0x1a6: {  	[tilespmem:v10+s14+$0x0] =	vst.idx.msk $0xffff, v9  }
0x1a7: {  	v10 =	vld [tilespmem:s24+$0xFFFFFFF0];
	_ =	sdelay $0x4  }
0x1a8: {  	v10 =	vshll.u32 v10, $0xB  }
0x1a9: {  	v10 =	vadd.s32 s26, v10  }
0x1aa: {  	v10 =	vor.u32 v4, v10;
	_ =	sdelay $0x4  }
0x1ab: {  	[tilespmem:v10+s14+$0x0] =	vst.idx.msk $0xffff, v9  }
0x1ac: {  	v10 =	vld [tilespmem:s24+$0x0];
	_ =	sdelay $0x4  }
0x1ad: {  	v10 =	vshll.u32 v10, $0xB  }
0x1ae: {  	v10 =	vadd.s32 s26, v10  }
0x1af: {  	v10 =	vor.u32 v5, v10;
	_ =	sdelay $0x4  }
0x1b0: {  	[tilespmem:v10+s14+$0x0] =	vst.idx.msk $0xffff, v9  }
0x1b1: {  	v10 =	vld [tilespmem:s24+$0x10];
	_ =	sdelay $0x4  }
0x1b2: {  	v10 =	vshll.u32 v10, $0xB  }
0x1b3: {  	v10 =	vadd.s32 s26, v10  }
0x1b4: {  	v10 =	vor.u32 v6, v10;
	_ =	sdelay $0x4  }
0x1b5: {  	[tilespmem:v10+s14+$0x0] =	vst.idx.msk $0xffff, v9  }
0x1b6: {  	v10 =	vld [tilespmem:s24+$0x20];
	_ =	sdelay $0x4  }
0x1b7: {  	v10 =	vshll.u32 v10, $0xB  }
0x1b8: {  	v10 =	vadd.s32 s26, v10  }
0x1b9: {  	v10 =	vor.u32 v7, v10;
	_ =	sdelay $0x4  }
0x1ba: {  	[tilespmem:v10+s14+$0x0] =	vst.idx.msk $0xffff, v9  }
0x1bb: {  	v10 =	vld [tilespmem:s24+$0x30];
	_ =	sdelay $0x4  }
0x1bc: {  	v10 =	vshll.u32 v10, $0xB  }
0x1bd: {  	v10 =	vadd.s32 s26, v10  }
0x1be: {  	p0 =	sne.s32 s25, $0x7;
	v10 =	vor.u32 v8, v10  }
.Ltmp8:
0x1bf: {  	_ = 	snop;
	(pc) =	sbr.rel @p0 .LBB2_19-.Ltmp8, $2  }
0x1c0: {  	_ =	sdelay $0x2  }
0x1c1: {  	s25 =	sadd.s32 $0x1, s25;
	s24 =	sadd.s32 $0x80, s24;
	[tilespmem:v10+s14+$0x0] =	vst.idx.msk $0xffff, v9  }
0x1c2: {  	s24 =	simm.s32 $0xC70  }
.LBB2_21:
0x1c3: {  	v10 =	vld [tilespmem:s24+$0xFFFFFF90]  }
0x1c4: {  	v11 =	vmov s23  }
0x1c5: {  	v11 =	vadd.s32 $0x8, v11  }
0x1c6: {  	v11 =	vshll.u32 v11, $0x7  }
0x1c7: {  	v11 =	vbroadcast v11, $0x0  }
0x1c8: {  	v10 =	vshll.u32 v10, $0xB  }
0x1c9: {  	v10 =	vadd.s32 v11, v10  }
0x1ca: {  	v10 =	vor.u32 v0, v10;
	_ =	sdelay $0x4  }
0x1cb: {  	[tilespmem:v10+s14+$0x0] =	vst.idx.msk $0xffff, v9  }
0x1cc: {  	v10 =	vld [tilespmem:s24+$0xFFFFFFA0];
	_ =	sdelay $0x4  }
0x1cd: {  	v10 =	vshll.u32 v10, $0xB  }
0x1ce: {  	v10 =	vadd.s32 v11, v10  }
0x1cf: {  	v10 =	vor.u32 v2, v10;
	_ =	sdelay $0x4  }
0x1d0: {  	[tilespmem:v10+s14+$0x0] =	vst.idx.msk $0xffff, v9  }
0x1d1: {  	v10 =	vld [tilespmem:s24+$0xFFFFFFB0];
	_ =	sdelay $0x4  }
0x1d2: {  	v10 =	vshll.u32 v10, $0xB  }
0x1d3: {  	v10 =	vadd.s32 v11, v10  }
0x1d4: {  	v10 =	vor.u32 v3, v10;
	_ =	sdelay $0x4  }
0x1d5: {  	[tilespmem:v10+s14+$0x0] =	vst.idx.msk $0xffff, v9  }
0x1d6: {  	v10 =	vld [tilespmem:s24+$0xFFFFFFC0];
	_ =	sdelay $0x4  }
0x1d7: {  	v10 =	vshll.u32 v10, $0xB  }
0x1d8: {  	v10 =	vadd.s32 v11, v10  }
0x1d9: {  	v10 =	vor.u32 v4, v10;
	_ =	sdelay $0x4  }
0x1da: {  	[tilespmem:v10+s14+$0x0] =	vst.idx.msk $0xffff, v9  }
0x1db: {  	v10 =	vld [tilespmem:s24+$0xFFFFFFD0];
	_ =	sdelay $0x4  }
0x1dc: {  	v10 =	vshll.u32 v10, $0xB  }
0x1dd: {  	v10 =	vadd.s32 v11, v10  }
0x1de: {  	v10 =	vor.u32 v5, v10;
	_ =	sdelay $0x4  }
0x1df: {  	[tilespmem:v10+s14+$0x0] =	vst.idx.msk $0xffff, v9  }
0x1e0: {  	v10 =	vld [tilespmem:s24+$0xFFFFFFE0];
	_ =	sdelay $0x4  }
0x1e1: {  	v10 =	vshll.u32 v10, $0xB  }
0x1e2: {  	v10 =	vadd.s32 v11, v10  }
0x1e3: {  	v10 =	vor.u32 v6, v10;
	_ =	sdelay $0x4  }
0x1e4: {  	[tilespmem:v10+s14+$0x0] =	vst.idx.msk $0xffff, v9  }
0x1e5: {  	v10 =	vld [tilespmem:s24+$0xFFFFFFF0];
	_ =	sdelay $0x4  }
0x1e6: {  	v10 =	vshll.u32 v10, $0xB  }
0x1e7: {  	v10 =	vadd.s32 v11, v10  }
0x1e8: {  	v10 =	vor.u32 v7, v10;
	_ =	sdelay $0x4  }
0x1e9: {  	[tilespmem:v10+s14+$0x0] =	vst.idx.msk $0xffff, v9  }
0x1ea: {  	v10 =	vld [tilespmem:s24+$0x0];
	_ =	sdelay $0x4  }
0x1eb: {  	v10 =	vshll.u32 v10, $0xB  }
0x1ec: {  	v10 =	vadd.s32 v11, v10  }
0x1ed: {  	p0 =	sne.s32 s23, $0x7;
	v10 =	vor.u32 v8, v10  }
.Ltmp9:
0x1ee: {  	_ = 	snop;
	(pc) =	sbr.rel @p0 .LBB2_21-.Ltmp9, $2  }
0x1ef: {  	_ =	sdelay $0x2  }
0x1f0: {  	s23 =	sadd.s32 $0x1, s23;
	s24 =	sadd.s32 $0x80, s24;
	[tilespmem:v10+s14+$0x0] =	vst.idx.msk $0xffff, v9  }
0x1f1: {  	s22 =	sadd.s32 s22, s11  }
0x1f2: {  	s22 =	sshll.u32 s22, $0x7  }
0x1f3: {  	s22 =	sand.u32 $0x1FFFFF00, s22  }
0x1f4: {  	s23 =	simm.s32 $0x0;
	s24 =	sadd.s32 s1, s22  }
0x1f5: {  	[tilespmem:s17], [sflag:$0x3] =	stream.linear.gather [hbm4b:s24+s23], $0x800, $0x38;
	[tilespmem:$0x1B000] =	vst v63  }
0x1f6: {  	_ =	swait.ge [sflag:s16], $0x800  }
0x1f7: {  	[sflag:s16] =	ssyncset.done $0x0  }
0x1f8: {  	s25 =	simm.s32 $0x0;
	s24 =	simm.s32 $0x840;
	[sflag:s16] =	ssyncadd.s32 $0xFFFFF800  }
.LBB2_23:
0x1f9: {  	v10 =	vld [tilespmem:s24+$0xFFFFFFC0];
	_ =	sdelay $0x4  }
0x1fa: {  	s26 =	sshll.u32 s25, $0x7;
	v10 =	vshll.u32 v10, $0xB  }
0x1fb: {  	v10 =	vadd.s32 s26, v10  }
0x1fc: {  	v10 =	vor.u32 v0, v10;
	_ =	sdelay $0x4  }
0x1fd: {  	[tilespmem:v10+s14+$0x0] =	vst.idx.msk $0xffff, v1  }
0x1fe: {  	v10 =	vld [tilespmem:s24+$0xFFFFFFD0];
	_ =	sdelay $0x4  }
0x1ff: {  	v10 =	vshll.u32 v10, $0xB  }
0x200: {  	v10 =	vadd.s32 s26, v10  }
0x201: {  	v10 =	vor.u32 v2, v10;
	_ =	sdelay $0x4  }
0x202: {  	[tilespmem:v10+s14+$0x0] =	vst.idx.msk $0xffff, v1  }
0x203: {  	v10 =	vld [tilespmem:s24+$0xFFFFFFE0];
	_ =	sdelay $0x4  }
0x204: {  	v10 =	vshll.u32 v10, $0xB  }
0x205: {  	v10 =	vadd.s32 s26, v10  }
0x206: {  	v10 =	vor.u32 v3, v10;
	_ =	sdelay $0x4  }
0x207: {  	[tilespmem:v10+s14+$0x0] =	vst.idx.msk $0xffff, v1  }
0x208: {  	v10 =	vld [tilespmem:s24+$0xFFFFFFF0];
	_ =	sdelay $0x4  }
0x209: {  	v10 =	vshll.u32 v10, $0xB  }
0x20a: {  	v10 =	vadd.s32 s26, v10  }
0x20b: {  	v10 =	vor.u32 v4, v10;
	_ =	sdelay $0x4  }
0x20c: {  	[tilespmem:v10+s14+$0x0] =	vst.idx.msk $0xffff, v1  }
0x20d: {  	v10 =	vld [tilespmem:s24+$0x0];
	_ =	sdelay $0x4  }
0x20e: {  	v10 =	vshll.u32 v10, $0xB  }
0x20f: {  	v10 =	vadd.s32 s26, v10  }
0x210: {  	v10 =	vor.u32 v5, v10;
	_ =	sdelay $0x4  }
0x211: {  	[tilespmem:v10+s14+$0x0] =	vst.idx.msk $0xffff, v1  }
0x212: {  	v10 =	vld [tilespmem:s24+$0x10];
	_ =	sdelay $0x4  }
0x213: {  	v10 =	vshll.u32 v10, $0xB  }
0x214: {  	v10 =	vadd.s32 s26, v10  }
0x215: {  	v10 =	vor.u32 v6, v10;
	_ =	sdelay $0x4  }
0x216: {  	[tilespmem:v10+s14+$0x0] =	vst.idx.msk $0xffff, v1  }
0x217: {  	v10 =	vld [tilespmem:s24+$0x20];
	_ =	sdelay $0x4  }
0x218: {  	v10 =	vshll.u32 v10, $0xB  }
0x219: {  	v10 =	vadd.s32 s26, v10  }
0x21a: {  	v10 =	vor.u32 v7, v10;
	_ =	sdelay $0x4  }
0x21b: {  	[tilespmem:v10+s14+$0x0] =	vst.idx.msk $0xffff, v1  }
0x21c: {  	v10 =	vld [tilespmem:s24+$0x30];
	_ =	sdelay $0x4  }
0x21d: {  	v10 =	vshll.u32 v10, $0xB  }
0x21e: {  	v10 =	vadd.s32 s26, v10  }
0x21f: {  	p0 =	sne.s32 s25, $0x7;
	v10 =	vor.u32 v8, v10  }
.Ltmp10:
0x220: {  	_ = 	snop;
	(pc) =	sbr.rel @p0 .LBB2_23-.Ltmp10, $2  }
0x221: {  	_ =	sdelay $0x2  }
0x222: {  	s25 =	sadd.s32 $0x1, s25;
	s24 =	sadd.s32 $0x80, s24;
	[tilespmem:v10+s14+$0x0] =	vst.idx.msk $0xffff, v1  }
0x223: {  	s24 =	simm.s32 $0xC70  }
.LBB2_25:
0x224: {  	v10 =	vld [tilespmem:s24+$0xFFFFFF90]  }
0x225: {  	v11 =	vmov s23  }
0x226: {  	v11 =	vadd.s32 $0x8, v11  }
0x227: {  	v11 =	vshll.u32 v11, $0x7  }
0x228: {  	v11 =	vbroadcast v11, $0x0  }
0x229: {  	v10 =	vshll.u32 v10, $0xB  }
0x22a: {  	v10 =	vadd.s32 v11, v10  }
0x22b: {  	v10 =	vor.u32 v0, v10;
	_ =	sdelay $0x4  }
0x22c: {  	[tilespmem:v10+s14+$0x0] =	vst.idx.msk $0xffff, v1  }
0x22d: {  	v10 =	vld [tilespmem:s24+$0xFFFFFFA0];
	_ =	sdelay $0x4  }
0x22e: {  	v10 =	vshll.u32 v10, $0xB  }
0x22f: {  	v10 =	vadd.s32 v11, v10  }
0x230: {  	v10 =	vor.u32 v2, v10;
	_ =	sdelay $0x4  }
0x231: {  	[tilespmem:v10+s14+$0x0] =	vst.idx.msk $0xffff, v1  }
0x232: {  	v10 =	vld [tilespmem:s24+$0xFFFFFFB0];
	_ =	sdelay $0x4  }
0x233: {  	v10 =	vshll.u32 v10, $0xB  }
0x234: {  	v10 =	vadd.s32 v11, v10  }
0x235: {  	v10 =	vor.u32 v3, v10;
	_ =	sdelay $0x4  }
0x236: {  	[tilespmem:v10+s14+$0x0] =	vst.idx.msk $0xffff, v1  }
0x237: {  	v10 =	vld [tilespmem:s24+$0xFFFFFFC0];
	_ =	sdelay $0x4  }
0x238: {  	v10 =	vshll.u32 v10, $0xB  }
0x239: {  	v10 =	vadd.s32 v11, v10  }
0x23a: {  	v10 =	vor.u32 v4, v10;
	_ =	sdelay $0x4  }
0x23b: {  	[tilespmem:v10+s14+$0x0] =	vst.idx.msk $0xffff, v1  }
0x23c: {  	v10 =	vld [tilespmem:s24+$0xFFFFFFD0];
	_ =	sdelay $0x4  }
0x23d: {  	v10 =	vshll.u32 v10, $0xB  }
0x23e: {  	v10 =	vadd.s32 v11, v10  }
0x23f: {  	v10 =	vor.u32 v5, v10;
	_ =	sdelay $0x4  }
0x240: {  	[tilespmem:v10+s14+$0x0] =	vst.idx.msk $0xffff, v1  }
0x241: {  	v10 =	vld [tilespmem:s24+$0xFFFFFFE0];
	_ =	sdelay $0x4  }
0x242: {  	v10 =	vshll.u32 v10, $0xB  }
0x243: {  	v10 =	vadd.s32 v11, v10  }
0x244: {  	v10 =	vor.u32 v6, v10;
	_ =	sdelay $0x4  }
0x245: {  	[tilespmem:v10+s14+$0x0] =	vst.idx.msk $0xffff, v1  }
0x246: {  	v10 =	vld [tilespmem:s24+$0xFFFFFFF0];
	_ =	sdelay $0x4  }
0x247: {  	v10 =	vshll.u32 v10, $0xB  }
0x248: {  	v10 =	vadd.s32 v11, v10  }
0x249: {  	v10 =	vor.u32 v7, v10;
	_ =	sdelay $0x4  }
0x24a: {  	[tilespmem:v10+s14+$0x0] =	vst.idx.msk $0xffff, v1  }
0x24b: {  	v10 =	vld [tilespmem:s24+$0x0];
	_ =	sdelay $0x4  }
0x24c: {  	v10 =	vshll.u32 v10, $0xB  }
0x24d: {  	v10 =	vadd.s32 v11, v10  }
0x24e: {  	p0 =	sne.s32 s23, $0x7;
	v10 =	vor.u32 v8, v10  }
.Ltmp11:
0x24f: {  	_ = 	snop;
	(pc) =	sbr.rel @p0 .LBB2_25-.Ltmp11, $2  }
0x250: {  	_ =	sdelay $0x2  }
0x251: {  	s23 =	sadd.s32 $0x1, s23;
	s24 =	sadd.s32 $0x80, s24;
	[tilespmem:v10+s14+$0x0] =	vst.idx.msk $0xffff, v1  }
0x252: {  	s21 =	sadd.s32 $0x1, s21  }
0x253: {  	p0 =	sne.s32 s21, $0x19  }
.Ltmp12:
0x254: {  	_ = 	snop;
	(pc) =	sbr.rel @p0 .LBB2_10-.Ltmp12, $3  }
0x255: {  	_ =	sdelay $0x1  }
0x256: {  	s22 =	sadd.s32 s3, s22  }
0x257: {  	[hbm4b:s22+s17] =	stream.strided.scatter [tilespmem:s14], [sflag:$0x2], $0xD000, s18, s17, $0x38;
	[tilespmem:$0x1B000] =	vst v63  }
0x258: {  	s20 =	sadd.s32 $0x1, s20  }
0x259: {  	_ =	swait.ge [sflag:s15], $0xD000;
	p0 =	sne.s32 s20, s12  }
.Ltmp13:
0x25a: {  	[sflag:s15] =	ssyncset.done $0x0;
	(pc) =	sbr.rel @p0 .LBB2_1-.Ltmp13, $4  }
0x25b: {  	[sflag:s15] =	ssyncadd.s32 $0xFFFF3000  }
0x25c: {  	_ =	swait.ge [sflag:s19], $0xD000  }
0x25d: {  	[sflag:s19] =	ssyncset.done $0x0  }
0x25e: {  	[sflag:s19] =	ssyncadd.s32 $0xFFFF3000  }
0x25f: {  	_ =	sfence.sel $0x180000  }
0x260: {  	[bflag:$0x0] =	sbarrier.arrive $0xFFFF  }
0x261: {  	p0 =	sne.s32 s2, $0x0;
	_ =	strace $0x90000047  }
0x262: {  	s0 =	sadd.s32 @!p0 $0x100000, s0;
	[bflag:$0x2] =	sbarrier.arrive $0xFFFF  }
0x263: {  	[sflag:s0] =	ssyncadd.tile.s32 @!p0 $0x1;
	_ =	shalt  }
.Lfunc_end2:
_tile_overlayer_lowered:
.L_overlay_start_2:
0x264: {  	(tag) =	ssettag $0x2  }
0x265: {  	s0 =	rddreg [dreg:$0x0];
	s2 =	stileid.u32  }
0x266: {  	s1 =	rddreg [dreg:$0x1];
	p0 =	sne.s32 s2, $0x0  }
0x267: {  	s3 =	rddreg [dreg:$0x2];
	[bflag:$0x3] =	sbarrier.arrive $0xFFFF;
	s2 =	simm.s32 @!p0 $0x1C03  }
0x268: {  	[timem:s3], [sflag:s2] =	dma.local @!p0 [hbm:s0], s1  }
0x269: {  	s0 =	simm.s32 @!p0 $0x3  }
0x26a: {  	_ =	swait.ge @!p0 [sflag:s0], s1  }
0x26b: {  	s1 =	ssub.s32 @!p0 $0x0, s1;
	[sflag:s0] =	ssyncset.done @!p0 $0x0  }
0x26c: {  	[sflag:s0] =	ssyncadd.s32 @!p0 s1  }
0x26d: {  	[bflag:$0x3] =	sbarrier.arrive $0xFFFF  }
0x26e: {  	_ =	shalt  }

</sc_bundles>
